<compile_context>
chip_gen: v7x
topology: tpu7x:2x2x1
jax: 0.10.2.dev20260603
libtpu: 0.0.44.dev20260713+nightly
codegen_flags: <defaults>
</compile_context>

<pallas_src>
import functools

import jax
import jax.numpy as jnp
from jax import lax
from jax.experimental import pallas as pl
from jax.experimental.pallas import tpu as pltpu
from jax.experimental.pallas import tpu_sc as plsc

N = 10000
E = 320000
D = 128

NC = 2
NS = 16
NW = NC * NS
EDGES_PER_TILE = E // NW
K = 80
CHUNKS = EDGES_PER_TILE // K
NBUF = 3
ROWS_PER_TILE = 624
TAIL_START = ROWS_PER_TILE * NS
TAIL_ROWS = N - TAIL_START


def _build_seg():
    mesh = plsc.VectorSubcoreMesh(core_axis_name="c", subcore_axis_name="s")

    @functools.partial(
        pl.kernel,
        mesh=mesh,
        out_type=jax.ShapeDtypeStruct((NC, N, D), jnp.float32),
        scratch_types=[
            pltpu.VMEM((EDGES_PER_TILE,), jnp.int32),
            pltpu.VMEM((EDGES_PER_TILE,), jnp.int32),
        ] + [pltpu.VMEM((K, D), jnp.float32) for _ in range(NBUF)]
          + [pltpu.SemaphoreType.DMA for _ in range(NBUF)]
          + [pltpu.VMEM_SHARED((N, D), jnp.float32)],
    )
    def seg(x_hbm, edges_hbm, out_hbm, *scr):
        src_v, dst_v = scr[0], scr[1]
        rows = scr[2:2 + NBUF]
        sems = scr[2 + NBUF:2 + 2 * NBUF]
        agg_sh = scr[2 + 2 * NBUF]
        c = lax.axis_index("c")
        s = lax.axis_index("s")
        wid = s * NC + c

        zv = jnp.zeros((16,), jnp.float32)

        def _fill_row(r, carry):
            for q in range(D // 16):
                rows[0][r, pl.ds(q * 16, 16)] = zv
            return carry

        lax.fori_loop(0, K, _fill_row, 0)
        for i in range(7):
            pltpu.sync_copy(
                rows[0],
                agg_sh.at[pl.ds(s * ROWS_PER_TILE + i * K, K)])
        pltpu.sync_copy(
            rows[0].at[pl.ds(0, ROWS_PER_TILE - 7 * K)],
            agg_sh.at[pl.ds(s * ROWS_PER_TILE + 7 * K, ROWS_PER_TILE - 7 * K)])

        @pl.when(s == NS - 1)
        def _zero_tail():
            pltpu.sync_copy(rows[0].at[pl.ds(0, TAIL_ROWS)],
                            agg_sh.at[pl.ds(TAIL_START, TAIL_ROWS)])

        base = wid * EDGES_PER_TILE
        pltpu.sync_copy(edges_hbm.at[pl.ds(base, EDGES_PER_TILE)], src_v)
        pltpu.sync_copy(edges_hbm.at[pl.ds(E + base, EDGES_PER_TILE)], dst_v)
        plsc.subcore_barrier()

        def gather(ch, b):
            pltpu.async_copy(x_hbm.at[src_v.at[pl.ds(ch * K, K)]],
                             rows[b], sems[b])

        def step(ch, b, refill):
            pltpu.make_async_copy(x_hbm.at[pl.ds(0, K)], rows[b],
                                  sems[b]).wait()
            pltpu.sync_copy(rows[b], agg_sh.at[dst_v.at[pl.ds(ch * K, K)]],
                            add=True)
            if refill:
                gather(ch + NBUF, b)

        for b in range(NBUF):
            gather(b, b)

        def body(j, carry):
            for b in range(NBUF):
                step(j * NBUF + b, b, refill=True)
            return carry

        lax.fori_loop(0, (CHUNKS - 5) // NBUF, body, 0)
        for ch in range(CHUNKS - 5, CHUNKS):
            step(ch, ch % NBUF, refill=(ch + NBUF < CHUNKS))
        plsc.subcore_barrier()

        pltpu.sync_copy(agg_sh.at[pl.ds(s * ROWS_PER_TILE, ROWS_PER_TILE)],
                        out_hbm.at[c, pl.ds(s * ROWS_PER_TILE, ROWS_PER_TILE)])

        @pl.when(s == NS - 1)
        def _copy_tail():
            pltpu.sync_copy(agg_sh.at[pl.ds(TAIL_START, TAIL_ROWS)],
                            out_hbm.at[c, pl.ds(TAIL_START, TAIL_ROWS)])

    return seg


_seg_call = _build_seg()

BLK = 2000


def _root_body(x_ref, wr_ref, b_ref, o_ref):
    o_ref[...] = jnp.dot(x_ref[...], wr_ref[...],
                         preferred_element_type=jnp.float32) + b_ref[...]


def _neigh_body(r_ref, a0_ref, a1_ref, wn_ref, o_ref):
    o_ref[...] = r_ref[...] + jnp.dot(a0_ref[0] + a1_ref[0], wn_ref[...],
                                      preferred_element_type=jnp.float32)


def kernel(x, edge_index, W_root, W_neigh, b):
    edges = edge_index.reshape(2 * E)
    parts = _seg_call(x, edges)
    blk2 = pl.BlockSpec((BLK, D), lambda i: (i, 0))
    root = pl.pallas_call(
        _root_body,
        grid=(N // BLK,),
        in_specs=[blk2, pl.BlockSpec((D, D), lambda i: (0, 0)),
                  pl.BlockSpec((1, D), lambda i: (0, 0))],
        out_specs=blk2,
        out_shape=jax.ShapeDtypeStruct((N, D), jnp.float32),
    )(x, W_root, b.reshape(1, D))
    out = pl.pallas_call(
        _neigh_body,
        grid=(N // BLK,),
        in_specs=[blk2,
                  pl.BlockSpec((1, BLK, D), lambda i: (0, i, 0)),
                  pl.BlockSpec((1, BLK, D), lambda i: (1, i, 0)),
                  pl.BlockSpec((D, D), lambda i: (0, 0))],
        out_specs=blk2,
        out_shape=jax.ShapeDtypeStruct((N, D), jnp.float32),
    )(root, parts, parts, W_neigh)
    return out

# --- scband reference (transcript-rebuilt; emitter-appended) ---
"""Pipeline reference for scband-gnnwrapper-36120674959951 (READ-ONLY COPY).

The authoritative reference and input builder live on the scoring server;
editing this copy changes nothing except your own understanding.
"""

import jax, jax.numpy as jnp
import numpy as np

N = 10000
E = 320000
D = 128


def setup_inputs(seed: int = 0) -> dict:
    key = jax.random.key(seed)
    k1, k2, k3, k4, k5 = jax.random.split(key, 5)
    x = jax.random.normal(k1, (N, D), dtype=jnp.float32)
    edge_index = jax.random.randint(k2, (2, E), 0, N, dtype=jnp.int32)
    scale = 1.0 / np.sqrt(D)
    W_root = jax.random.normal(k3, (D, D), dtype=jnp.float32) * scale
    W_neigh = jax.random.normal(k4, (D, D), dtype=jnp.float32) * scale
    b = jax.random.normal(k5, (D,), dtype=jnp.float32) * 0.01
    return {"x": x, "edge_index": edge_index, "W_root": W_root, "W_neigh": W_neigh, "b": b}


def reference(x, edge_index, W_root, W_neigh, b):
    # GNNWrapper.forward with use_edge_weights=False, use_edge_attr=False:
    #   return self.gnn(x, data.edge_index)
    # where gnn is GraphConv(128, 128, aggr='add'):
    #   out = x @ W_root + scatter_add(x[src] -> dst) @ W_neigh + b
    src = edge_index[0]
    dst = edge_index[1]
    msgs = jnp.take(x, src, axis=0)                      # gather: [E, D]
    agg = jax.ops.segment_sum(msgs, dst, num_segments=x.shape[0])  # scatter-add: [N, D]
    out = x @ W_root + agg @ W_neigh + b
    return out

if __name__ == "__main__":
    import jax
    _d = setup_inputs()
    print(jax.jit(kernel)(*tuple(_d.values())))

</pallas_src>

<mosaic_0001>
#map = affine_map<(d0, d1) -> (0, 0)>
#map1 = affine_map<(d0, d1) -> (0)>
#map2 = affine_map<(d0, d1) -> (0, 0, 0)>
module attributes {stable_mosaic.version = 14 : i64} {
  func.func @seg(%arg0: i32, %arg1: i32, %arg2: memref<10000x128xf32, #tpu.memory_space<hbm>>, %arg3: memref<640000xi32, #tpu.memory_space<hbm>>, %arg4: memref<2x10000x128xf32, #tpu.memory_space<hbm>>, %arg5: memref<10000xi32, #tpu.memory_space<vmem>>, %arg6: memref<10000xi32, #tpu.memory_space<vmem>>, %arg7: memref<80x128xf32, #tpu.memory_space<vmem>>, %arg8: memref<80x128xf32, #tpu.memory_space<vmem>>, %arg9: memref<80x128xf32, #tpu.memory_space<vmem>>, %arg10: memref<!tpu.dma_semaphore, #tpu.memory_space<semaphore_mem>>, %arg11: memref<!tpu.dma_semaphore, #tpu.memory_space<semaphore_mem>>, %arg12: memref<!tpu.dma_semaphore, #tpu.memory_space<semaphore_mem>>, %arg13: memref<10000x128xf32, #tpu.memory_space<vmem_shared>>) attributes {dimension_semantics = [#tpu.dimension_semantics<core_parallel>, #tpu.dimension_semantics<subcore_parallel>], iteration_bounds = array<i64: 2, 16>, scalar_prefetch = 0 : i64, scratch_operands = 9 : i64, tpu.core_type = #tpu.core_type<sc_vector_subcore>, window_params = [{transform_indices = #map}, {transform_indices = #map1}, {transform_indices = #map2}]} {
    %mul3A = arith.constant 2 : i32
    %mul3A_0 = arith.muli %arg1, %mul3A : i32
    %add3A = arith.addi %mul3A_0, %arg0 : i32
    %broadcast_in_dim3A = arith.constant 0.000000e+00 : f32
    %broadcast_in_dim3A_1 = vector.broadcast %broadcast_in_dim3A : f32 to vector<16xf32>
    %scan3A = arith.constant 0 : i32
    %scan3A_2 = arith.constant 0 : i32
    %scan3A_3 = arith.constant 80 : i32
    %scan3A_4 = arith.addi %scan3A_2, %scan3A_3 : i32
    %scan3A_5 = arith.constant 1 : i32
    scf.for %scan3A_114 = %scan3A_2 to %scan3A_4 step %scan3A_5  : i32 {
      %swap3A = arith.index_cast %scan3A_114 : i32 to index
      %swap3A_115 = arith.constant 0 : index
      %swap3A_116 = tpu.vector_load %arg7[%swap3A, %swap3A_115] {strides = array<i32>} : memref<80x128xf32, #tpu.memory_space<vmem>>, vector<1x16xf32>,
      %swap3A_117 = vector.shape_cast %swap3A_116 : vector<1x16xf32> to vector<16xf32>
      %swap3A_118 = vector.shape_cast %broadcast_in_dim3A_1 : vector<16xf32> to vector<1x16xf32>
      tpu.vector_store %arg7[%swap3A, %swap3A_115], %swap3A_118 {strides = array<i32>} : memref<80x128xf32, #tpu.memory_space<vmem>>, vector<1x16xf32>,
      %swap3A_119 = arith.index_cast %scan3A_114 : i32 to index
      %swap3A_120 = arith.constant 16 : index
      %swap3A_121 = tpu.vector_load %arg7[%swap3A_119, %swap3A_120] {strides = array<i32>} : memref<80x128xf32, #tpu.memory_space<vmem>>, vector<1x16xf32>,
      %swap3A_122 = vector.shape_cast %swap3A_121 : vector<1x16xf32> to vector<16xf32>
      %swap3A_123 = vector.shape_cast %broadcast_in_dim3A_1 : vector<16xf32> to vector<1x16xf32>
      tpu.vector_store %arg7[%swap3A_119, %swap3A_120], %swap3A_123 {strides = array<i32>} : memref<80x128xf32, #tpu.memory_space<vmem>>, vector<1x16xf32>,
      %swap3A_124 = arith.index_cast %scan3A_114 : i32 to index
      %swap3A_125 = arith.constant 32 : index
      %swap3A_126 = tpu.vector_load %arg7[%swap3A_124, %swap3A_125] {strides = array<i32>} : memref<80x128xf32, #tpu.memory_space<vmem>>, vector<1x16xf32>,
      %swap3A_127 = vector.shape_cast %swap3A_126 : vector<1x16xf32> to vector<16xf32>
      %swap3A_128 = vector.shape_cast %broadcast_in_dim3A_1 : vector<16xf32> to vector<1x16xf32>
      tpu.vector_store %arg7[%swap3A_124, %swap3A_125], %swap3A_128 {strides = array<i32>} : memref<80x128xf32, #tpu.memory_space<vmem>>, vector<1x16xf32>,
      %swap3A_129 = arith.index_cast %scan3A_114 : i32 to index
      %swap3A_130 = arith.constant 48 : index
      %swap3A_131 = tpu.vector_load %arg7[%swap3A_129, %swap3A_130] {strides = array<i32>} : memref<80x128xf32, #tpu.memory_space<vmem>>, vector<1x16xf32>,
      %swap3A_132 = vector.shape_cast %swap3A_131 : vector<1x16xf32> to vector<16xf32>
      %swap3A_133 = vector.shape_cast %broadcast_in_dim3A_1 : vector<16xf32> to vector<1x16xf32>
      tpu.vector_store %arg7[%swap3A_129, %swap3A_130], %swap3A_133 {strides = array<i32>} : memref<80x128xf32, #tpu.memory_space<vmem>>, vector<1x16xf32>,
      %swap3A_134 = arith.index_cast %scan3A_114 : i32 to index
      %swap3A_135 = arith.constant 64 : index
      %swap3A_136 = tpu.vector_load %arg7[%swap3A_134, %swap3A_135] {strides = array<i32>} : memref<80x128xf32, #tpu.memory_space<vmem>>, vector<1x16xf32>,
      %swap3A_137 = vector.shape_cast %swap3A_136 : vector<1x16xf32> to vector<16xf32>
      %swap3A_138 = vector.shape_cast %broadcast_in_dim3A_1 : vector<16xf32> to vector<1x16xf32>
      tpu.vector_store %arg7[%swap3A_134, %swap3A_135], %swap3A_138 {strides = array<i32>} : memref<80x128xf32, #tpu.memory_space<vmem>>, vector<1x16xf32>,
      %swap3A_139 = arith.index_cast %scan3A_114 : i32 to index
      %swap3A_140 = arith.constant 80 : index
      %swap3A_141 = tpu.vector_load %arg7[%swap3A_139, %swap3A_140] {strides = array<i32>} : memref<80x128xf32, #tpu.memory_space<vmem>>, vector<1x16xf32>,
      %swap3A_142 = vector.shape_cast %swap3A_141 : vector<1x16xf32> to vector<16xf32>
      %swap3A_143 = vector.shape_cast %broadcast_in_dim3A_1 : vector<16xf32> to vector<1x16xf32>
      tpu.vector_store %arg7[%swap3A_139, %swap3A_140], %swap3A_143 {strides = array<i32>} : memref<80x128xf32, #tpu.memory_space<vmem>>, vector<1x16xf32>,
      %swap3A_144 = arith.index_cast %scan3A_114 : i32 to index
      %swap3A_145 = arith.constant 96 : index
      %swap3A_146 = tpu.vector_load %arg7[%swap3A_144, %swap3A_145] {strides = array<i32>} : memref<80x128xf32, #tpu.memory_space<vmem>>, vector<1x16xf32>,
      %swap3A_147 = vector.shape_cast %swap3A_146 : vector<1x16xf32> to vector<16xf32>
      %swap3A_148 = vector.shape_cast %broadcast_in_dim3A_1 : vector<16xf32> to vector<1x16xf32>
      tpu.vector_store %arg7[%swap3A_144, %swap3A_145], %swap3A_148 {strides = array<i32>} : memref<80x128xf32, #tpu.memory_space<vmem>>, vector<1x16xf32>,
      %swap3A_149 = arith.index_cast %scan3A_114 : i32 to index
      %swap3A_150 = arith.constant 112 : index
      %swap3A_151 = tpu.vector_load %arg7[%swap3A_149, %swap3A_150] {strides = array<i32>} : memref<80x128xf32, #tpu.memory_space<vmem>>, vector<1x16xf32>,
      %swap3A_152 = vector.shape_cast %swap3A_151 : vector<1x16xf32> to vector<16xf32>
      %swap3A_153 = vector.shape_cast %broadcast_in_dim3A_1 : vector<16xf32> to vector<1x16xf32>
      tpu.vector_store %arg7[%swap3A_149, %swap3A_150], %swap3A_153 {strides = array<i32>} : memref<80x128xf32, #tpu.memory_space<vmem>>, vector<1x16xf32>,
    }
    %scan3A_6 = arith.constant 80 : i32
    %mul3A_7 = arith.constant 624 : i32
    %mul3A_8 = arith.muli %arg1, %mul3A_7 : i32
    %add3A_9 = arith.constant 0 : i32
    %add3A_10 = arith.addi %mul3A_8, %add3A_9 : i32
    "tpu.region"() ({
      %run_scoped3A = tpu.sem_alloc : memref<!tpu.dma_semaphore, #tpu.memory_space<semaphore_mem>>
      %dma_start3A_114 = arith.constant 0 : i32
      %dma_start3A_115 = tpu.memref_slice %arg13[%add3A_10, %dma_start3A_114] : memref<10000x128xf32, #tpu.memory_space<vmem_shared>> -> memref<80x128xf32, #tpu.memory_space<vmem_shared>>
      %dma_start3A_116 = arith.constant 0 : i32
      %dma_start3A_117 = tpu.memref_slice %arg13[%add3A_10, %dma_start3A_116] : memref<10000x128xf32, #tpu.memory_space<vmem_shared>> -> memref<80x128xf32, #tpu.memory_space<vmem_shared>>
      tpu.enqueue_dma source(%arg7 : memref<80x128xf32, #tpu.memory_space<vmem>>) target(%dma_start3A_117 : memref<80x128xf32, #tpu.memory_space<vmem_shared>>) target_semaphore(%run_scoped3A : memref<!tpu.dma_semaphore, #tpu.memory_space<semaphore_mem>>)
      %dma_wait3A_118 = arith.constant 0 : i32
      %dma_wait3A_119 = tpu.memref_slice %arg13[%add3A_10, %dma_wait3A_118] : memref<10000x128xf32, #tpu.memory_space<vmem_shared>> -> memref<80x128xf32, #tpu.memory_space<vmem_shared>>
      %dma_wait3A_120 = arith.constant 0 : i32
      %dma_wait3A_121 = tpu.memref_slice %arg13[%add3A_10, %dma_wait3A_120] : memref<10000x128xf32, #tpu.memory_space<vmem_shared>> -> memref<80x128xf32, #tpu.memory_space<vmem_shared>>
      tpu.wait_dma2 semaphore(%run_scoped3A : memref<!tpu.dma_semaphore, #tpu.memory_space<semaphore_mem>>) src(%arg7 : memref<80x128xf32, #tpu.memory_space<vmem>>) dst(%dma_wait3A_121 : memref<80x128xf32, #tpu.memory_space<vmem_shared>>)
      tpu.yield
    }) : () -> ()
    %mul3A_11 = arith.constant 624 : i32
    %mul3A_12 = arith.muli %arg1, %mul3A_11 : i32
    %add3A_13 = arith.constant 80 : i32
    %add3A_14 = arith.addi %mul3A_12, %add3A_13 : i32
    "tpu.region"() ({
      %run_scoped3A = tpu.sem_alloc : memref<!tpu.dma_semaphore, #tpu.memory_space<semaphore_mem>>
      %dma_start3A_114 = arith.constant 0 : i32
      %dma_start3A_115 = tpu.memref_slice %arg13[%add3A_14, %dma_start3A_114] : memref<10000x128xf32, #tpu.memory_space<vmem_shared>> -> memref<80x128xf32, #tpu.memory_space<vmem_shared>>
      %dma_start3A_116 = arith.constant 0 : i32
      %dma_start3A_117 = tpu.memref_slice %arg13[%add3A_14, %dma_start3A_116] : memref<10000x128xf32, #tpu.memory_space<vmem_shared>> -> memref<80x128xf32, #tpu.memory_space<vmem_shared>>
      tpu.enqueue_dma source(%arg7 : memref<80x128xf32, #tpu.memory_space<vmem>>) target(%dma_start3A_117 : memref<80x128xf32, #tpu.memory_space<vmem_shared>>) target_semaphore(%run_scoped3A : memref<!tpu.dma_semaphore, #tpu.memory_space<semaphore_mem>>)
      %dma_wait3A_118 = arith.constant 0 : i32
      %dma_wait3A_119 = tpu.memref_slice %arg13[%add3A_14, %dma_wait3A_118] : memref<10000x128xf32, #tpu.memory_space<vmem_shared>> -> memref<80x128xf32, #tpu.memory_space<vmem_shared>>
      %dma_wait3A_120 = arith.constant 0 : i32
      %dma_wait3A_121 = tpu.memref_slice %arg13[%add3A_14, %dma_wait3A_120] : memref<10000x128xf32, #tpu.memory_space<vmem_shared>> -> memref<80x128xf32, #tpu.memory_space<vmem_shared>>
      tpu.wait_dma2 semaphore(%run_scoped3A : memref<!tpu.dma_semaphore, #tpu.memory_space<semaphore_mem>>) src(%arg7 : memref<80x128xf32, #tpu.memory_space<vmem>>) dst(%dma_wait3A_121 : memref<80x128xf32, #tpu.memory_space<vmem_shared>>)
      tpu.yield
    }) : () -> ()
    %mul3A_15 = arith.constant 624 : i32
    %mul3A_16 = arith.muli %arg1, %mul3A_15 : i32
    %add3A_17 = arith.constant 160 : i32
    %add3A_18 = arith.addi %mul3A_16, %add3A_17 : i32
    "tpu.region"() ({
      %run_scoped3A = tpu.sem_alloc : memref<!tpu.dma_semaphore, #tpu.memory_space<semaphore_mem>>
      %dma_start3A_114 = arith.constant 0 : i32
      %dma_start3A_115 = tpu.memref_slice %arg13[%add3A_18, %dma_start3A_114] : memref<10000x128xf32, #tpu.memory_space<vmem_shared>> -> memref<80x128xf32, #tpu.memory_space<vmem_shared>>
      %dma_start3A_116 = arith.constant 0 : i32
      %dma_start3A_117 = tpu.memref_slice %arg13[%add3A_18, %dma_start3A_116] : memref<10000x128xf32, #tpu.memory_space<vmem_shared>> -> memref<80x128xf32, #tpu.memory_space<vmem_shared>>
      tpu.enqueue_dma source(%arg7 : memref<80x128xf32, #tpu.memory_space<vmem>>) target(%dma_start3A_117 : memref<80x128xf32, #tpu.memory_space<vmem_shared>>) target_semaphore(%run_scoped3A : memref<!tpu.dma_semaphore, #tpu.memory_space<semaphore_mem>>)
      %dma_wait3A_118 = arith.constant 0 : i32
      %dma_wait3A_119 = tpu.memref_slice %arg13[%add3A_18, %dma_wait3A_118] : memref<10000x128xf32, #tpu.memory_space<vmem_shared>> -> memref<80x128xf32, #tpu.memory_space<vmem_shared>>
      %dma_wait3A_120 = arith.constant 0 : i32
      %dma_wait3A_121 = tpu.memref_slice %arg13[%add3A_18, %dma_wait3A_120] : memref<10000x128xf32, #tpu.memory_space<vmem_shared>> -> memref<80x128xf32, #tpu.memory_space<vmem_shared>>
      tpu.wait_dma2 semaphore(%run_scoped3A : memref<!tpu.dma_semaphore, #tpu.memory_space<semaphore_mem>>) src(%arg7 : memref<80x128xf32, #tpu.memory_space<vmem>>) dst(%dma_wait3A_121 : memref<80x128xf32, #tpu.memory_space<vmem_shared>>)
      tpu.yield
    }) : () -> ()
    %mul3A_19 = arith.constant 624 : i32
    %mul3A_20 = arith.muli %arg1, %mul3A_19 : i32
    %add3A_21 = arith.constant 240 : i32
    %add3A_22 = arith.addi %mul3A_20, %add3A_21 : i32
    "tpu.region"() ({
      %run_scoped3A = tpu.sem_alloc : memref<!tpu.dma_semaphore, #tpu.memory_space<semaphore_mem>>
      %dma_start3A_114 = arith.constant 0 : i32
      %dma_start3A_115 = tpu.memref_slice %arg13[%add3A_22, %dma_start3A_114] : memref<10000x128xf32, #tpu.memory_space<vmem_shared>> -> memref<80x128xf32, #tpu.memory_space<vmem_shared>>
      %dma_start3A_116 = arith.constant 0 : i32
      %dma_start3A_117 = tpu.memref_slice %arg13[%add3A_22, %dma_start3A_116] : memref<10000x128xf32, #tpu.memory_space<vmem_shared>> -> memref<80x128xf32, #tpu.memory_space<vmem_shared>>
      tpu.enqueue_dma source(%arg7 : memref<80x128xf32, #tpu.memory_space<vmem>>) target(%dma_start3A_117 : memref<80x128xf32, #tpu.memory_space<vmem_shared>>) target_semaphore(%run_scoped3A : memref<!tpu.dma_semaphore, #tpu.memory_space<semaphore_mem>>)
      %dma_wait3A_118 = arith.constant 0 : i32
      %dma_wait3A_119 = tpu.memref_slice %arg13[%add3A_22, %dma_wait3A_118] : memref<10000x128xf32, #tpu.memory_space<vmem_shared>> -> memref<80x128xf32, #tpu.memory_space<vmem_shared>>
      %dma_wait3A_120 = arith.constant 0 : i32
      %dma_wait3A_121 = tpu.memref_slice %arg13[%add3A_22, %dma_wait3A_120] : memref<10000x128xf32, #tpu.memory_space<vmem_shared>> -> memref<80x128xf32, #tpu.memory_space<vmem_shared>>
      tpu.wait_dma2 semaphore(%run_scoped3A : memref<!tpu.dma_semaphore, #tpu.memory_space<semaphore_mem>>) src(%arg7 : memref<80x128xf32, #tpu.memory_space<vmem>>) dst(%dma_wait3A_121 : memref<80x128xf32, #tpu.memory_space<vmem_shared>>)
      tpu.yield
    }) : () -> ()
    %mul3A_23 = arith.constant 624 : i32
    %mul3A_24 = arith.muli %arg1, %mul3A_23 : i32
    %add3A_25 = arith.constant 320 : i32
    %add3A_26 = arith.addi %mul3A_24, %add3A_25 : i32
    "tpu.region"() ({
      %run_scoped3A = tpu.sem_alloc : memref<!tpu.dma_semaphore, #tpu.memory_space<semaphore_mem>>
      %dma_start3A_114 = arith.constant 0 : i32
      %dma_start3A_115 = tpu.memref_slice %arg13[%add3A_26, %dma_start3A_114] : memref<10000x128xf32, #tpu.memory_space<vmem_shared>> -> memref<80x128xf32, #tpu.memory_space<vmem_shared>>
      %dma_start3A_116 = arith.constant 0 : i32
      %dma_start3A_117 = tpu.memref_slice %arg13[%add3A_26, %dma_start3A_116] : memref<10000x128xf32, #tpu.memory_space<vmem_shared>> -> memref<80x128xf32, #tpu.memory_space<vmem_shared>>
      tpu.enqueue_dma source(%arg7 : memref<80x128xf32, #tpu.memory_space<vmem>>) target(%dma_start3A_117 : memref<80x128xf32, #tpu.memory_space<vmem_shared>>) target_semaphore(%run_scoped3A : memref<!tpu.dma_semaphore, #tpu.memory_space<semaphore_mem>>)
      %dma_wait3A_118 = arith.constant 0 : i32
      %dma_wait3A_119 = tpu.memref_slice %arg13[%add3A_26, %dma_wait3A_118] : memref<10000x128xf32, #tpu.memory_space<vmem_shared>> -> memref<80x128xf32, #tpu.memory_space<vmem_shared>>
      %dma_wait3A_120 = arith.constant 0 : i32
      %dma_wait3A_121 = tpu.memref_slice %arg13[%add3A_26, %dma_wait3A_120] : memref<10000x128xf32, #tpu.memory_space<vmem_shared>> -> memref<80x128xf32, #tpu.memory_space<vmem_shared>>
      tpu.wait_dma2 semaphore(%run_scoped3A : memref<!tpu.dma_semaphore, #tpu.memory_space<semaphore_mem>>) src(%arg7 : memref<80x128xf32, #tpu.memory_space<vmem>>) dst(%dma_wait3A_121 : memref<80x128xf32, #tpu.memory_space<vmem_shared>>)
      tpu.yield
    }) : () -> ()
    %mul3A_27 = arith.constant 624 : i32
    %mul3A_28 = arith.muli %arg1, %mul3A_27 : i32
    %add3A_29 = arith.constant 400 : i32
    %add3A_30 = arith.addi %mul3A_28, %add3A_29 : i32
    "tpu.region"() ({
      %run_scoped3A = tpu.sem_alloc : memref<!tpu.dma_semaphore, #tpu.memory_space<semaphore_mem>>
      %dma_start3A_114 = arith.constant 0 : i32
      %dma_start3A_115 = tpu.memref_slice %arg13[%add3A_30, %dma_start3A_114] : memref<10000x128xf32, #tpu.memory_space<vmem_shared>> -> memref<80x128xf32, #tpu.memory_space<vmem_shared>>
      %dma_start3A_116 = arith.constant 0 : i32
      %dma_start3A_117 = tpu.memref_slice %arg13[%add3A_30, %dma_start3A_116] : memref<10000x128xf32, #tpu.memory_space<vmem_shared>> -> memref<80x128xf32, #tpu.memory_space<vmem_shared>>
      tpu.enqueue_dma source(%arg7 : memref<80x128xf32, #tpu.memory_space<vmem>>) target(%dma_start3A_117 : memref<80x128xf32, #tpu.memory_space<vmem_shared>>) target_semaphore(%run_scoped3A : memref<!tpu.dma_semaphore, #tpu.memory_space<semaphore_mem>>)
      %dma_wait3A_118 = arith.constant 0 : i32
      %dma_wait3A_119 = tpu.memref_slice %arg13[%add3A_30, %dma_wait3A_118] : memref<10000x128xf32, #tpu.memory_space<vmem_shared>> -> memref<80x128xf32, #tpu.memory_space<vmem_shared>>
      %dma_wait3A_120 = arith.constant 0 : i32
      %dma_wait3A_121 = tpu.memref_slice %arg13[%add3A_30, %dma_wait3A_120] : memref<10000x128xf32, #tpu.memory_space<vmem_shared>> -> memref<80x128xf32, #tpu.memory_space<vmem_shared>>
      tpu.wait_dma2 semaphore(%run_scoped3A : memref<!tpu.dma_semaphore, #tpu.memory_space<semaphore_mem>>) src(%arg7 : memref<80x128xf32, #tpu.memory_space<vmem>>) dst(%dma_wait3A_121 : memref<80x128xf32, #tpu.memory_space<vmem_shared>>)
      tpu.yield
    }) : () -> ()
    %mul3A_31 = arith.constant 624 : i32
    %mul3A_32 = arith.muli %arg1, %mul3A_31 : i32
    %add3A_33 = arith.constant 480 : i32
    %add3A_34 = arith.addi %mul3A_32, %add3A_33 : i32
    "tpu.region"() ({
      %run_scoped3A = tpu.sem_alloc : memref<!tpu.dma_semaphore, #tpu.memory_space<semaphore_mem>>
      %dma_start3A_114 = arith.constant 0 : i32
      %dma_start3A_115 = tpu.memref_slice %arg13[%add3A_34, %dma_start3A_114] : memref<10000x128xf32, #tpu.memory_space<vmem_shared>> -> memref<80x128xf32, #tpu.memory_space<vmem_shared>>
      %dma_start3A_116 = arith.constant 0 : i32
      %dma_start3A_117 = tpu.memref_slice %arg13[%add3A_34, %dma_start3A_116] : memref<10000x128xf32, #tpu.memory_space<vmem_shared>> -> memref<80x128xf32, #tpu.memory_space<vmem_shared>>
      tpu.enqueue_dma source(%arg7 : memref<80x128xf32, #tpu.memory_space<vmem>>) target(%dma_start3A_117 : memref<80x128xf32, #tpu.memory_space<vmem_shared>>) target_semaphore(%run_scoped3A : memref<!tpu.dma_semaphore, #tpu.memory_space<semaphore_mem>>)
      %dma_wait3A_118 = arith.constant 0 : i32
      %dma_wait3A_119 = tpu.memref_slice %arg13[%add3A_34, %dma_wait3A_118] : memref<10000x128xf32, #tpu.memory_space<vmem_shared>> -> memref<80x128xf32, #tpu.memory_space<vmem_shared>>
      %dma_wait3A_120 = arith.constant 0 : i32
      %dma_wait3A_121 = tpu.memref_slice %arg13[%add3A_34, %dma_wait3A_120] : memref<10000x128xf32, #tpu.memory_space<vmem_shared>> -> memref<80x128xf32, #tpu.memory_space<vmem_shared>>
      tpu.wait_dma2 semaphore(%run_scoped3A : memref<!tpu.dma_semaphore, #tpu.memory_space<semaphore_mem>>) src(%arg7 : memref<80x128xf32, #tpu.memory_space<vmem>>) dst(%dma_wait3A_121 : memref<80x128xf32, #tpu.memory_space<vmem_shared>>)
      tpu.yield
    }) : () -> ()
    %mul3A_35 = arith.constant 624 : i32
    %mul3A_36 = arith.muli %arg1, %mul3A_35 : i32
    %add3A_37 = arith.constant 560 : i32
    %add3A_38 = arith.addi %mul3A_36, %add3A_37 : i32
    "tpu.region"() ({
      %run_scoped3A = tpu.sem_alloc : memref<!tpu.dma_semaphore, #tpu.memory_space<semaphore_mem>>
      %dma_start3A_114 = arith.constant 0 : i32
      %dma_start3A_115 = arith.constant 0 : i32
      %dma_start3A_116 = tpu.memref_slice %arg7[%dma_start3A_114, %dma_start3A_115] : memref<80x128xf32, #tpu.memory_space<vmem>> -> memref<64x128xf32, #tpu.memory_space<vmem>>
      %dma_start3A_117 = arith.constant 0 : i32
      %dma_start3A_118 = tpu.memref_slice %arg13[%add3A_38, %dma_start3A_117] : memref<10000x128xf32, #tpu.memory_space<vmem_shared>> -> memref<64x128xf32, #tpu.memory_space<vmem_shared>>
      %dma_start3A_119 = arith.constant 0 : i32
      %dma_start3A_120 = tpu.memref_slice %arg13[%add3A_38, %dma_start3A_119] : memref<10000x128xf32, #tpu.memory_space<vmem_shared>> -> memref<64x128xf32, #tpu.memory_space<vmem_shared>>
      %dma_start3A_121 = arith.constant 0 : i32
      %dma_start3A_122 = arith.constant 0 : i32
      %dma_start3A_123 = tpu.memref_slice %arg7[%dma_start3A_121, %dma_start3A_122] : memref<80x128xf32, #tpu.memory_space<vmem>> -> memref<64x128xf32, #tpu.memory_space<vmem>>
      tpu.enqueue_dma source(%dma_start3A_123 : memref<64x128xf32, #tpu.memory_space<vmem>>) target(%dma_start3A_120 : memref<64x128xf32, #tpu.memory_space<vmem_shared>>) target_semaphore(%run_scoped3A : memref<!tpu.dma_semaphore, #tpu.memory_space<semaphore_mem>>)
      %dma_wait3A_124 = arith.constant 0 : i32
      %dma_wait3A_125 = arith.constant 0 : i32
      %dma_wait3A_126 = tpu.memref_slice %arg7[%dma_wait3A_124, %dma_wait3A_125] : memref<80x128xf32, #tpu.memory_space<vmem>> -> memref<64x128xf32, #tpu.memory_space<vmem>>
      %dma_wait3A_127 = arith.constant 0 : i32
      %dma_wait3A_128 = tpu.memref_slice %arg13[%add3A_38, %dma_wait3A_127] : memref<10000x128xf32, #tpu.memory_space<vmem_shared>> -> memref<64x128xf32, #tpu.memory_space<vmem_shared>>
      %dma_wait3A_129 = arith.constant 0 : i32
      %dma_wait3A_130 = tpu.memref_slice %arg13[%add3A_38, %dma_wait3A_129] : memref<10000x128xf32, #tpu.memory_space<vmem_shared>> -> memref<64x128xf32, #tpu.memory_space<vmem_shared>>
      %dma_wait3A_131 = arith.constant 0 : i32
      %dma_wait3A_132 = arith.constant 0 : i32
      %dma_wait3A_133 = tpu.memref_slice %arg7[%dma_wait3A_131, %dma_wait3A_132] : memref<80x128xf32, #tpu.memory_space<vmem>> -> memref<64x128xf32, #tpu.memory_space<vmem>>
      tpu.wait_dma2 semaphore(%run_scoped3A : memref<!tpu.dma_semaphore, #tpu.memory_space<semaphore_mem>>) src(%dma_wait3A_133 : memref<64x128xf32, #tpu.memory_space<vmem>>) dst(%dma_wait3A_130 : memref<64x128xf32, #tpu.memory_space<vmem_shared>>)
      tpu.yield
    }) : () -> ()
    %eq3A = arith.constant 15 : i32
    %eq3A_39 = arith.cmpi eq, %arg1, %eq3A : i32
    %convert_element_type3A = arith.extui %eq3A_39 : i1 to i32
    %cond3A = arith.constant 0 : i32
    %cond3A_40 = arith.cmpi ne, %convert_element_type3A, %cond3A : i32
    scf.if %cond3A_40 {
      "tpu.region"() ({
        %run_scoped3A = tpu.sem_alloc : memref<!tpu.dma_semaphore, #tpu.memory_space<semaphore_mem>>
        %dma_start3A_114 = arith.constant 0 : i32
        %dma_start3A_115 = arith.constant 0 : i32
        %dma_start3A_116 = tpu.memref_slice %arg7[%dma_start3A_114, %dma_start3A_115] : memref<80x128xf32, #tpu.memory_space<vmem>> -> memref<16x128xf32, #tpu.memory_space<vmem>>
        %dma_start3A_117 = arith.constant 9984 : i32
        %dma_start3A_118 = arith.constant 0 : i32
        %dma_start3A_119 = tpu.memref_slice %arg13[%dma_start3A_117, %dma_start3A_118] : memref<10000x128xf32, #tpu.memory_space<vmem_shared>> -> memref<16x128xf32, #tpu.memory_space<vmem_shared>>
        %dma_start3A_120 = arith.constant 9984 : i32
        %dma_start3A_121 = arith.constant 0 : i32
        %dma_start3A_122 = tpu.memref_slice %arg13[%dma_start3A_120, %dma_start3A_121] : memref<10000x128xf32, #tpu.memory_space<vmem_shared>> -> memref<16x128xf32, #tpu.memory_space<vmem_shared>>
        %dma_start3A_123 = arith.constant 0 : i32
        %dma_start3A_124 = arith.constant 0 : i32
        %dma_start3A_125 = tpu.memref_slice %arg7[%dma_start3A_123, %dma_start3A_124] : memref<80x128xf32, #tpu.memory_space<vmem>> -> memref<16x128xf32, #tpu.memory_space<vmem>>
        tpu.enqueue_dma source(%dma_start3A_125 : memref<16x128xf32, #tpu.memory_space<vmem>>) target(%dma_start3A_122 : memref<16x128xf32, #tpu.memory_space<vmem_shared>>) target_semaphore(%run_scoped3A : memref<!tpu.dma_semaphore, #tpu.memory_space<semaphore_mem>>)
        %dma_wait3A_126 = arith.constant 0 : i32
        %dma_wait3A_127 = arith.constant 0 : i32
        %dma_wait3A_128 = tpu.memref_slice %arg7[%dma_wait3A_126, %dma_wait3A_127] : memref<80x128xf32, #tpu.memory_space<vmem>> -> memref<16x128xf32, #tpu.memory_space<vmem>>
        %dma_wait3A_129 = arith.constant 9984 : i32
        %dma_wait3A_130 = arith.constant 0 : i32
        %dma_wait3A_131 = tpu.memref_slice %arg13[%dma_wait3A_129, %dma_wait3A_130] : memref<10000x128xf32, #tpu.memory_space<vmem_shared>> -> memref<16x128xf32, #tpu.memory_space<vmem_shared>>
        %dma_wait3A_132 = arith.constant 9984 : i32
        %dma_wait3A_133 = arith.constant 0 : i32
        %dma_wait3A_134 = tpu.memref_slice %arg13[%dma_wait3A_132, %dma_wait3A_133] : memref<10000x128xf32, #tpu.memory_space<vmem_shared>> -> memref<16x128xf32, #tpu.memory_space<vmem_shared>>
        %dma_wait3A_135 = arith.constant 0 : i32
        %dma_wait3A_136 = arith.constant 0 : i32
        %dma_wait3A_137 = tpu.memref_slice %arg7[%dma_wait3A_135, %dma_wait3A_136] : memref<80x128xf32, #tpu.memory_space<vmem>> -> memref<16x128xf32, #tpu.memory_space<vmem>>
        tpu.wait_dma2 semaphore(%run_scoped3A : memref<!tpu.dma_semaphore, #tpu.memory_space<semaphore_mem>>) src(%dma_wait3A_137 : memref<16x128xf32, #tpu.memory_space<vmem>>) dst(%dma_wait3A_134 : memref<16x128xf32, #tpu.memory_space<vmem_shared>>)
        tpu.yield
      }) : () -> ()
    } else {
    }
    %mul3A_41 = arith.constant 10000 : i32
    %mul3A_42 = arith.muli %add3A, %mul3A_41 : i32
    "tpu.region"() ({
      %run_scoped3A = tpu.sem_alloc : memref<!tpu.dma_semaphore, #tpu.memory_space<semaphore_mem>>
      %dma_start3A_114 = tpu.memref_slice %arg3[%mul3A_42] : memref<640000xi32, #tpu.memory_space<hbm>> -> memref<10000xi32, #tpu.memory_space<hbm>>
      %dma_start3A_115 = tpu.memref_slice %arg3[%mul3A_42] : memref<640000xi32, #tpu.memory_space<hbm>> -> memref<10000xi32, #tpu.memory_space<hbm>>
      tpu.enqueue_dma source(%dma_start3A_115 : memref<10000xi32, #tpu.memory_space<hbm>>) target(%arg5 : memref<10000xi32, #tpu.memory_space<vmem>>) target_semaphore(%run_scoped3A : memref<!tpu.dma_semaphore, #tpu.memory_space<semaphore_mem>>)
      %dma_wait3A_116 = tpu.memref_slice %arg3[%mul3A_42] : memref<640000xi32, #tpu.memory_space<hbm>> -> memref<10000xi32, #tpu.memory_space<hbm>>
      %dma_wait3A_117 = tpu.memref_slice %arg3[%mul3A_42] : memref<640000xi32, #tpu.memory_space<hbm>> -> memref<10000xi32, #tpu.memory_space<hbm>>
      tpu.wait_dma2 semaphore(%run_scoped3A : memref<!tpu.dma_semaphore, #tpu.memory_space<semaphore_mem>>) src(%dma_wait3A_117 : memref<10000xi32, #tpu.memory_space<hbm>>) dst(%arg5 : memref<10000xi32, #tpu.memory_space<vmem>>)
      tpu.yield
    }) : () -> ()
    %add3A_43 = arith.constant 320000 : i32
    %add3A_44 = arith.addi %add3A_43, %mul3A_42 : i32
    "tpu.region"() ({
      %run_scoped3A = tpu.sem_alloc : memref<!tpu.dma_semaphore, #tpu.memory_space<semaphore_mem>>
      %dma_start3A_114 = tpu.memref_slice %arg3[%add3A_44] : memref<640000xi32, #tpu.memory_space<hbm>> -> memref<10000xi32, #tpu.memory_space<hbm>>
      %dma_start3A_115 = tpu.memref_slice %arg3[%add3A_44] : memref<640000xi32, #tpu.memory_space<hbm>> -> memref<10000xi32, #tpu.memory_space<hbm>>
      tpu.enqueue_dma source(%dma_start3A_115 : memref<10000xi32, #tpu.memory_space<hbm>>) target(%arg6 : memref<10000xi32, #tpu.memory_space<vmem>>) target_semaphore(%run_scoped3A : memref<!tpu.dma_semaphore, #tpu.memory_space<semaphore_mem>>)
      %dma_wait3A_116 = tpu.memref_slice %arg3[%add3A_44] : memref<640000xi32, #tpu.memory_space<hbm>> -> memref<10000xi32, #tpu.memory_space<hbm>>
      %dma_wait3A_117 = tpu.memref_slice %arg3[%add3A_44] : memref<640000xi32, #tpu.memory_space<hbm>> -> memref<10000xi32, #tpu.memory_space<hbm>>
      tpu.wait_dma2 semaphore(%run_scoped3A : memref<!tpu.dma_semaphore, #tpu.memory_space<semaphore_mem>>) src(%dma_wait3A_117 : memref<10000xi32, #tpu.memory_space<hbm>>) dst(%arg6 : memref<10000xi32, #tpu.memory_space<vmem>>)
      tpu.yield
    }) : () -> ()
    %barrier3A = arith.constant 0 : index
    tpu.barrier barrier_id(%barrier3A)
    %dma_start3A = arith.constant 0 : i32
    %dma_start3A_45 = tpu.memref_slice %arg5[%dma_start3A] : memref<10000xi32, #tpu.memory_space<vmem>> -> memref<80xi32, #tpu.memory_space<vmem>>
    %dma_start3A_46 = arith.constant 0 : i32
    %dma_start3A_47 = arith.constant 0 : i32
    %dma_start3A_48 = tpu.memref_slice %arg2[%dma_start3A_46, %dma_start3A_47] : memref<10000x128xf32, #tpu.memory_space<hbm>> -> memref<10000x128xf32, #tpu.memory_space<hbm>>
    tpu.enqueue_indirect_dma source(%dma_start3A_48 : memref<10000x128xf32, #tpu.memory_space<hbm>>) target(%arg7 : memref<80x128xf32, #tpu.memory_space<vmem>>) offsets(%dma_start3A_45 : memref<80xi32, #tpu.memory_space<vmem>>) semaphore(%arg10 : memref<!tpu.dma_semaphore, #tpu.memory_space<semaphore_mem>>)
    %dma_start3A_49 = arith.constant 80 : i32
    %dma_start3A_50 = tpu.memref_slice %arg5[%dma_start3A_49] : memref<10000xi32, #tpu.memory_space<vmem>> -> memref<80xi32, #tpu.memory_space<vmem>>
    %dma_start3A_51 = arith.constant 0 : i32
    %dma_start3A_52 = arith.constant 0 : i32
    %dma_start3A_53 = tpu.memref_slice %arg2[%dma_start3A_51, %dma_start3A_52] : memref<10000x128xf32, #tpu.memory_space<hbm>> -> memref<10000x128xf32, #tpu.memory_space<hbm>>
    tpu.enqueue_indirect_dma source(%dma_start3A_53 : memref<10000x128xf32, #tpu.memory_space<hbm>>) target(%arg8 : memref<80x128xf32, #tpu.memory_space<vmem>>) offsets(%dma_start3A_50 : memref<80xi32, #tpu.memory_space<vmem>>) semaphore(%arg11 : memref<!tpu.dma_semaphore, #tpu.memory_space<semaphore_mem>>)
    %dma_start3A_54 = arith.constant 160 : i32
    %dma_start3A_55 = tpu.memref_slice %arg5[%dma_start3A_54] : memref<10000xi32, #tpu.memory_space<vmem>> -> memref<80xi32, #tpu.memory_space<vmem>>
    %dma_start3A_56 = arith.constant 0 : i32
    %dma_start3A_57 = arith.constant 0 : i32
    %dma_start3A_58 = tpu.memref_slice %arg2[%dma_start3A_56, %dma_start3A_57] : memref<10000x128xf32, #tpu.memory_space<hbm>> -> memref<10000x128xf32, #tpu.memory_space<hbm>>
    tpu.enqueue_indirect_dma source(%dma_start3A_58 : memref<10000x128xf32, #tpu.memory_space<hbm>>) target(%arg9 : memref<80x128xf32, #tpu.memory_space<vmem>>) offsets(%dma_start3A_55 : memref<80xi32, #tpu.memory_space<vmem>>) semaphore(%arg12 : memref<!tpu.dma_semaphore, #tpu.memory_space<semaphore_mem>>)
    %scan3A_59 = arith.constant 0 : i32
    %scan3A_60 = arith.constant 0 : i32
    %scan3A_61 = arith.constant 40 : i32
    %scan3A_62 = arith.addi %scan3A_60, %scan3A_61 : i32
    %scan3A_63 = arith.constant 1 : i32
    scf.for %scan3A_114 = %scan3A_60 to %scan3A_62 step %scan3A_63  : i32 {
      %mul3A_115 = arith.constant 3 : i32
      %mul3A_116 = arith.muli %scan3A_114, %mul3A_115 : i32
      %add3A_117 = arith.constant 0 : i32
      %add3A_118 = arith.addi %mul3A_116, %add3A_117 : i32
      %dma_wait3A_119 = arith.constant 0 : i32
      %dma_wait3A_120 = arith.constant 0 : i32
      %dma_wait3A_121 = tpu.memref_slice %arg2[%dma_wait3A_119, %dma_wait3A_120] : memref<10000x128xf32, #tpu.memory_space<hbm>> -> memref<80x128xf32, #tpu.memory_space<hbm>>
      %dma_wait3A_122 = arith.constant 0 : i32
      %dma_wait3A_123 = arith.constant 0 : i32
      %dma_wait3A_124 = tpu.memref_slice %arg2[%dma_wait3A_122, %dma_wait3A_123] : memref<10000x128xf32, #tpu.memory_space<hbm>> -> memref<80x128xf32, #tpu.memory_space<hbm>>
      tpu.wait_dma2 semaphore(%arg10 : memref<!tpu.dma_semaphore, #tpu.memory_space<semaphore_mem>>) src(%dma_wait3A_124 : memref<80x128xf32, #tpu.memory_space<hbm>>) dst(%arg7 : memref<80x128xf32, #tpu.memory_space<vmem>>)
      %mul3A_125 = arith.constant 80 : i32
      %mul3A_126 = arith.muli %add3A_118, %mul3A_125 : i32
      "tpu.region"() ({
        %run_scoped3A = tpu.sem_alloc : memref<!tpu.dma_semaphore, #tpu.memory_space<semaphore_mem>>
        %dma_start3A_175 = tpu.memref_slice %arg6[%mul3A_126] : memref<10000xi32, #tpu.memory_space<vmem>> -> memref<80xi32, #tpu.memory_space<vmem>>
        %dma_start3A_176 = arith.constant 0 : i32
        %dma_start3A_177 = arith.constant 0 : i32
        %dma_start3A_178 = tpu.memref_slice %arg13[%dma_start3A_176, %dma_start3A_177] : memref<10000x128xf32, #tpu.memory_space<vmem_shared>> -> memref<10000x128xf32, #tpu.memory_space<vmem_shared>>
        tpu.enqueue_indirect_dma source(%arg7 : memref<80x128xf32, #tpu.memory_space<vmem>>) target(%dma_start3A_178 : memref<10000x128xf32, #tpu.memory_space<vmem_shared>>) offsets(%dma_start3A_175 : memref<80xi32, #tpu.memory_space<vmem>>) semaphore(%run_scoped3A : memref<!tpu.dma_semaphore, #tpu.memory_space<semaphore_mem>>) {add = true}
        %dma_wait3A_179 = tpu.memref_slice %arg6[%mul3A_126] : memref<10000xi32, #tpu.memory_space<vmem>> -> memref<80xi32, #tpu.memory_space<vmem>>
        %dma_wait3A_180 = arith.constant 0 : i32
        %dma_wait3A_181 = arith.constant 0 : i32
        %dma_wait3A_182 = tpu.memref_slice %arg13[%dma_wait3A_180, %dma_wait3A_181] : memref<10000x128xf32, #tpu.memory_space<vmem_shared>> -> memref<10000x128xf32, #tpu.memory_space<vmem_shared>>
        tpu.wait_indirect_dma semaphore(%run_scoped3A : memref<!tpu.dma_semaphore, #tpu.memory_space<semaphore_mem>>) src(%arg7 : memref<80x128xf32, #tpu.memory_space<vmem>>) dst(%dma_wait3A_182 : memref<10000x128xf32, #tpu.memory_space<vmem_shared>>)
        tpu.yield
      }) : () -> ()
      %add3A_127 = arith.constant 3 : i32
      %add3A_128 = arith.addi %add3A_118, %add3A_127 : i32
      %mul3A_129 = arith.constant 80 : i32
      %mul3A_130 = arith.muli %add3A_128, %mul3A_129 : i32
      %dma_start3A_131 = tpu.memref_slice %arg5[%mul3A_130] : memref<10000xi32, #tpu.memory_space<vmem>> -> memref<80xi32, #tpu.memory_space<vmem>>
      %dma_start3A_132 = arith.constant 0 : i32
      %dma_start3A_133 = arith.constant 0 : i32
      %dma_start3A_134 = tpu.memref_slice %arg2[%dma_start3A_132, %dma_start3A_133] : memref<10000x128xf32, #tpu.memory_space<hbm>> -> memref<10000x128xf32, #tpu.memory_space<hbm>>
      tpu.enqueue_indirect_dma source(%dma_start3A_134 : memref<10000x128xf32, #tpu.memory_space<hbm>>) target(%arg7 : memref<80x128xf32, #tpu.memory_space<vmem>>) offsets(%dma_start3A_131 : memref<80xi32, #tpu.memory_space<vmem>>) semaphore(%arg10 : memref<!tpu.dma_semaphore, #tpu.memory_space<semaphore_mem>>)
      %mul3A_135 = arith.constant 3 : i32
      %mul3A_136 = arith.muli %scan3A_114, %mul3A_135 : i32
      %add3A_137 = arith.constant 1 : i32
      %add3A_138 = arith.addi %mul3A_136, %add3A_137 : i32
      %dma_wait3A_139 = arith.constant 0 : i32
      %dma_wait3A_140 = arith.constant 0 : i32
      %dma_wait3A_141 = tpu.memref_slice %arg2[%dma_wait3A_139, %dma_wait3A_140] : memref<10000x128xf32, #tpu.memory_space<hbm>> -> memref<80x128xf32, #tpu.memory_space<hbm>>
      %dma_wait3A_142 = arith.constant 0 : i32
      %dma_wait3A_143 = arith.constant 0 : i32
      %dma_wait3A_144 = tpu.memref_slice %arg2[%dma_wait3A_142, %dma_wait3A_143] : memref<10000x128xf32, #tpu.memory_space<hbm>> -> memref<80x128xf32, #tpu.memory_space<hbm>>
      tpu.wait_dma2 semaphore(%arg11 : memref<!tpu.dma_semaphore, #tpu.memory_space<semaphore_mem>>) src(%dma_wait3A_144 : memref<80x128xf32, #tpu.memory_space<hbm>>) dst(%arg8 : memref<80x128xf32, #tpu.memory_space<vmem>>)
      %mul3A_145 = arith.constant 80 : i32
      %mul3A_146 = arith.muli %add3A_138, %mul3A_145 : i32
      "tpu.region"() ({
        %run_scoped3A = tpu.sem_alloc : memref<!tpu.dma_semaphore, #tpu.memory_space<semaphore_mem>>
        %dma_start3A_175 = tpu.memref_slice %arg6[%mul3A_146] : memref<10000xi32, #tpu.memory_space<vmem>> -> memref<80xi32, #tpu.memory_space<vmem>>
        %dma_start3A_176 = arith.constant 0 : i32
        %dma_start3A_177 = arith.constant 0 : i32
        %dma_start3A_178 = tpu.memref_slice %arg13[%dma_start3A_176, %dma_start3A_177] : memref<10000x128xf32, #tpu.memory_space<vmem_shared>> -> memref<10000x128xf32, #tpu.memory_space<vmem_shared>>
        tpu.enqueue_indirect_dma source(%arg8 : memref<80x128xf32, #tpu.memory_space<vmem>>) target(%dma_start3A_178 : memref<10000x128xf32, #tpu.memory_space<vmem_shared>>) offsets(%dma_start3A_175 : memref<80xi32, #tpu.memory_space<vmem>>) semaphore(%run_scoped3A : memref<!tpu.dma_semaphore, #tpu.memory_space<semaphore_mem>>) {add = true}
        %dma_wait3A_179 = tpu.memref_slice %arg6[%mul3A_146] : memref<10000xi32, #tpu.memory_space<vmem>> -> memref<80xi32, #tpu.memory_space<vmem>>
        %dma_wait3A_180 = arith.constant 0 : i32
        %dma_wait3A_181 = arith.constant 0 : i32
        %dma_wait3A_182 = tpu.memref_slice %arg13[%dma_wait3A_180, %dma_wait3A_181] : memref<10000x128xf32, #tpu.memory_space<vmem_shared>> -> memref<10000x128xf32, #tpu.memory_space<vmem_shared>>
        tpu.wait_indirect_dma semaphore(%run_scoped3A : memref<!tpu.dma_semaphore, #tpu.memory_space<semaphore_mem>>) src(%arg8 : memref<80x128xf32, #tpu.memory_space<vmem>>) dst(%dma_wait3A_182 : memref<10000x128xf32, #tpu.memory_space<vmem_shared>>)
        tpu.yield
      }) : () -> ()
      %add3A_147 = arith.constant 3 : i32
      %add3A_148 = arith.addi %add3A_138, %add3A_147 : i32
      %mul3A_149 = arith.constant 80 : i32
      %mul3A_150 = arith.muli %add3A_148, %mul3A_149 : i32
      %dma_start3A_151 = tpu.memref_slice %arg5[%mul3A_150] : memref<10000xi32, #tpu.memory_space<vmem>> -> memref<80xi32, #tpu.memory_space<vmem>>
      %dma_start3A_152 = arith.constant 0 : i32
      %dma_start3A_153 = arith.constant 0 : i32
      %dma_start3A_154 = tpu.memref_slice %arg2[%dma_start3A_152, %dma_start3A_153] : memref<10000x128xf32, #tpu.memory_space<hbm>> -> memref<10000x128xf32, #tpu.memory_space<hbm>>
      tpu.enqueue_indirect_dma source(%dma_start3A_154 : memref<10000x128xf32, #tpu.memory_space<hbm>>) target(%arg8 : memref<80x128xf32, #tpu.memory_space<vmem>>) offsets(%dma_start3A_151 : memref<80xi32, #tpu.memory_space<vmem>>) semaphore(%arg11 : memref<!tpu.dma_semaphore, #tpu.memory_space<semaphore_mem>>)
      %mul3A_155 = arith.constant 3 : i32
      %mul3A_156 = arith.muli %scan3A_114, %mul3A_155 : i32
      %add3A_157 = arith.constant 2 : i32
      %add3A_158 = arith.addi %mul3A_156, %add3A_157 : i32
      %dma_wait3A_159 = arith.constant 0 : i32
      %dma_wait3A_160 = arith.constant 0 : i32
      %dma_wait3A_161 = tpu.memref_slice %arg2[%dma_wait3A_159, %dma_wait3A_160] : memref<10000x128xf32, #tpu.memory_space<hbm>> -> memref<80x128xf32, #tpu.memory_space<hbm>>
      %dma_wait3A_162 = arith.constant 0 : i32
      %dma_wait3A_163 = arith.constant 0 : i32
      %dma_wait3A_164 = tpu.memref_slice %arg2[%dma_wait3A_162, %dma_wait3A_163] : memref<10000x128xf32, #tpu.memory_space<hbm>> -> memref<80x128xf32, #tpu.memory_space<hbm>>
      tpu.wait_dma2 semaphore(%arg12 : memref<!tpu.dma_semaphore, #tpu.memory_space<semaphore_mem>>) src(%dma_wait3A_164 : memref<80x128xf32, #tpu.memory_space<hbm>>) dst(%arg9 : memref<80x128xf32, #tpu.memory_space<vmem>>)
      %mul3A_165 = arith.constant 80 : i32
      %mul3A_166 = arith.muli %add3A_158, %mul3A_165 : i32
      "tpu.region"() ({
        %run_scoped3A = tpu.sem_alloc : memref<!tpu.dma_semaphore, #tpu.memory_space<semaphore_mem>>
        %dma_start3A_175 = tpu.memref_slice %arg6[%mul3A_166] : memref<10000xi32, #tpu.memory_space<vmem>> -> memref<80xi32, #tpu.memory_space<vmem>>
        %dma_start3A_176 = arith.constant 0 : i32
        %dma_start3A_177 = arith.constant 0 : i32
        %dma_start3A_178 = tpu.memref_slice %arg13[%dma_start3A_176, %dma_start3A_177] : memref<10000x128xf32, #tpu.memory_space<vmem_shared>> -> memref<10000x128xf32, #tpu.memory_space<vmem_shared>>
        tpu.enqueue_indirect_dma source(%arg9 : memref<80x128xf32, #tpu.memory_space<vmem>>) target(%dma_start3A_178 : memref<10000x128xf32, #tpu.memory_space<vmem_shared>>) offsets(%dma_start3A_175 : memref<80xi32, #tpu.memory_space<vmem>>) semaphore(%run_scoped3A : memref<!tpu.dma_semaphore, #tpu.memory_space<semaphore_mem>>) {add = true}
        %dma_wait3A_179 = tpu.memref_slice %arg6[%mul3A_166] : memref<10000xi32, #tpu.memory_space<vmem>> -> memref<80xi32, #tpu.memory_space<vmem>>
        %dma_wait3A_180 = arith.constant 0 : i32
        %dma_wait3A_181 = arith.constant 0 : i32
        %dma_wait3A_182 = tpu.memref_slice %arg13[%dma_wait3A_180, %dma_wait3A_181] : memref<10000x128xf32, #tpu.memory_space<vmem_shared>> -> memref<10000x128xf32, #tpu.memory_space<vmem_shared>>
        tpu.wait_indirect_dma semaphore(%run_scoped3A : memref<!tpu.dma_semaphore, #tpu.memory_space<semaphore_mem>>) src(%arg9 : memref<80x128xf32, #tpu.memory_space<vmem>>) dst(%dma_wait3A_182 : memref<10000x128xf32, #tpu.memory_space<vmem_shared>>)
        tpu.yield
      }) : () -> ()
      %add3A_167 = arith.constant 3 : i32
      %add3A_168 = arith.addi %add3A_158, %add3A_167 : i32
      %mul3A_169 = arith.constant 80 : i32
      %mul3A_170 = arith.muli %add3A_168, %mul3A_169 : i32
      %dma_start3A_171 = tpu.memref_slice %arg5[%mul3A_170] : memref<10000xi32, #tpu.memory_space<vmem>> -> memref<80xi32, #tpu.memory_space<vmem>>
      %dma_start3A_172 = arith.constant 0 : i32
      %dma_start3A_173 = arith.constant 0 : i32
      %dma_start3A_174 = tpu.memref_slice %arg2[%dma_start3A_172, %dma_start3A_173] : memref<10000x128xf32, #tpu.memory_space<hbm>> -> memref<10000x128xf32, #tpu.memory_space<hbm>>
      tpu.enqueue_indirect_dma source(%dma_start3A_174 : memref<10000x128xf32, #tpu.memory_space<hbm>>) target(%arg9 : memref<80x128xf32, #tpu.memory_space<vmem>>) offsets(%dma_start3A_171 : memref<80xi32, #tpu.memory_space<vmem>>) semaphore(%arg12 : memref<!tpu.dma_semaphore, #tpu.memory_space<semaphore_mem>>)
    }
    %scan3A_64 = arith.constant 40 : i32
    %dma_wait3A = arith.constant 0 : i32
    %dma_wait3A_65 = arith.constant 0 : i32
    %dma_wait3A_66 = tpu.memref_slice %arg2[%dma_wait3A, %dma_wait3A_65] : memref<10000x128xf32, #tpu.memory_space<hbm>> -> memref<80x128xf32, #tpu.memory_space<hbm>>
    %dma_wait3A_67 = arith.constant 0 : i32
    %dma_wait3A_68 = arith.constant 0 : i32
    %dma_wait3A_69 = tpu.memref_slice %arg2[%dma_wait3A_67, %dma_wait3A_68] : memref<10000x128xf32, #tpu.memory_space<hbm>> -> memref<80x128xf32, #tpu.memory_space<hbm>>
    tpu.wait_dma2 semaphore(%arg10 : memref<!tpu.dma_semaphore, #tpu.memory_space<semaphore_mem>>) src(%dma_wait3A_69 : memref<80x128xf32, #tpu.memory_space<hbm>>) dst(%arg7 : memref<80x128xf32, #tpu.memory_space<vmem>>)
    "tpu.region"() ({
      %run_scoped3A = tpu.sem_alloc : memref<!tpu.dma_semaphore, #tpu.memory_space<semaphore_mem>>
      %dma_start3A_114 = arith.constant 9600 : i32
      %dma_start3A_115 = tpu.memref_slice %arg6[%dma_start3A_114] : memref<10000xi32, #tpu.memory_space<vmem>> -> memref<80xi32, #tpu.memory_space<vmem>>
      %dma_start3A_116 = arith.constant 0 : i32
      %dma_start3A_117 = arith.constant 0 : i32
      %dma_start3A_118 = tpu.memref_slice %arg13[%dma_start3A_116, %dma_start3A_117] : memref<10000x128xf32, #tpu.memory_space<vmem_shared>> -> memref<10000x128xf32, #tpu.memory_space<vmem_shared>>
      tpu.enqueue_indirect_dma source(%arg7 : memref<80x128xf32, #tpu.memory_space<vmem>>) target(%dma_start3A_118 : memref<10000x128xf32, #tpu.memory_space<vmem_shared>>) offsets(%dma_start3A_115 : memref<80xi32, #tpu.memory_space<vmem>>) semaphore(%run_scoped3A : memref<!tpu.dma_semaphore, #tpu.memory_space<semaphore_mem>>) {add = true}
      %dma_wait3A_119 = arith.constant 9600 : i32
      %dma_wait3A_120 = tpu.memref_slice %arg6[%dma_wait3A_119] : memref<10000xi32, #tpu.memory_space<vmem>> -> memref<80xi32, #tpu.memory_space<vmem>>
      %dma_wait3A_121 = arith.constant 0 : i32
      %dma_wait3A_122 = arith.constant 0 : i32
      %dma_wait3A_123 = tpu.memref_slice %arg13[%dma_wait3A_121, %dma_wait3A_122] : memref<10000x128xf32, #tpu.memory_space<vmem_shared>> -> memref<10000x128xf32, #tpu.memory_space<vmem_shared>>
      tpu.wait_indirect_dma semaphore(%run_scoped3A : memref<!tpu.dma_semaphore, #tpu.memory_space<semaphore_mem>>) src(%arg7 : memref<80x128xf32, #tpu.memory_space<vmem>>) dst(%dma_wait3A_123 : memref<10000x128xf32, #tpu.memory_space<vmem_shared>>)
      tpu.yield
    }) : () -> ()
    %dma_start3A_70 = arith.constant 9840 : i32
    %dma_start3A_71 = tpu.memref_slice %arg5[%dma_start3A_70] : memref<10000xi32, #tpu.memory_space<vmem>> -> memref<80xi32, #tpu.memory_space<vmem>>
    %dma_start3A_72 = arith.constant 0 : i32
    %dma_start3A_73 = arith.constant 0 : i32
    %dma_start3A_74 = tpu.memref_slice %arg2[%dma_start3A_72, %dma_start3A_73] : memref<10000x128xf32, #tpu.memory_space<hbm>> -> memref<10000x128xf32, #tpu.memory_space<hbm>>
    tpu.enqueue_indirect_dma source(%dma_start3A_74 : memref<10000x128xf32, #tpu.memory_space<hbm>>) target(%arg7 : memref<80x128xf32, #tpu.memory_space<vmem>>) offsets(%dma_start3A_71 : memref<80xi32, #tpu.memory_space<vmem>>) semaphore(%arg10 : memref<!tpu.dma_semaphore, #tpu.memory_space<semaphore_mem>>)
    %dma_wait3A_75 = arith.constant 0 : i32
    %dma_wait3A_76 = arith.constant 0 : i32
    %dma_wait3A_77 = tpu.memref_slice %arg2[%dma_wait3A_75, %dma_wait3A_76] : memref<10000x128xf32, #tpu.memory_space<hbm>> -> memref<80x128xf32, #tpu.memory_space<hbm>>
    %dma_wait3A_78 = arith.constant 0 : i32
    %dma_wait3A_79 = arith.constant 0 : i32
    %dma_wait3A_80 = tpu.memref_slice %arg2[%dma_wait3A_78, %dma_wait3A_79] : memref<10000x128xf32, #tpu.memory_space<hbm>> -> memref<80x128xf32, #tpu.memory_space<hbm>>
    tpu.wait_dma2 semaphore(%arg11 : memref<!tpu.dma_semaphore, #tpu.memory_space<semaphore_mem>>) src(%dma_wait3A_80 : memref<80x128xf32, #tpu.memory_space<hbm>>) dst(%arg8 : memref<80x128xf32, #tpu.memory_space<vmem>>)
    "tpu.region"() ({
      %run_scoped3A = tpu.sem_alloc : memref<!tpu.dma_semaphore, #tpu.memory_space<semaphore_mem>>
      %dma_start3A_114 = arith.constant 9680 : i32
      %dma_start3A_115 = tpu.memref_slice %arg6[%dma_start3A_114] : memref<10000xi32, #tpu.memory_space<vmem>> -> memref<80xi32, #tpu.memory_space<vmem>>
      %dma_start3A_116 = arith.constant 0 : i32
      %dma_start3A_117 = arith.constant 0 : i32
      %dma_start3A_118 = tpu.memref_slice %arg13[%dma_start3A_116, %dma_start3A_117] : memref<10000x128xf32, #tpu.memory_space<vmem_shared>> -> memref<10000x128xf32, #tpu.memory_space<vmem_shared>>
      tpu.enqueue_indirect_dma source(%arg8 : memref<80x128xf32, #tpu.memory_space<vmem>>) target(%dma_start3A_118 : memref<10000x128xf32, #tpu.memory_space<vmem_shared>>) offsets(%dma_start3A_115 : memref<80xi32, #tpu.memory_space<vmem>>) semaphore(%run_scoped3A : memref<!tpu.dma_semaphore, #tpu.memory_space<semaphore_mem>>) {add = true}
      %dma_wait3A_119 = arith.constant 9680 : i32
      %dma_wait3A_120 = tpu.memref_slice %arg6[%dma_wait3A_119] : memref<10000xi32, #tpu.memory_space<vmem>> -> memref<80xi32, #tpu.memory_space<vmem>>
      %dma_wait3A_121 = arith.constant 0 : i32
      %dma_wait3A_122 = arith.constant 0 : i32
      %dma_wait3A_123 = tpu.memref_slice %arg13[%dma_wait3A_121, %dma_wait3A_122] : memref<10000x128xf32, #tpu.memory_space<vmem_shared>> -> memref<10000x128xf32, #tpu.memory_space<vmem_shared>>
      tpu.wait_indirect_dma semaphore(%run_scoped3A : memref<!tpu.dma_semaphore, #tpu.memory_space<semaphore_mem>>) src(%arg8 : memref<80x128xf32, #tpu.memory_space<vmem>>) dst(%dma_wait3A_123 : memref<10000x128xf32, #tpu.memory_space<vmem_shared>>)
      tpu.yield
    }) : () -> ()
    %dma_start3A_81 = arith.constant 9920 : i32
    %dma_start3A_82 = tpu.memref_slice %arg5[%dma_start3A_81] : memref<10000xi32, #tpu.memory_space<vmem>> -> memref<80xi32, #tpu.memory_space<vmem>>
    %dma_start3A_83 = arith.constant 0 : i32
    %dma_start3A_84 = arith.constant 0 : i32
    %dma_start3A_85 = tpu.memref_slice %arg2[%dma_start3A_83, %dma_start3A_84] : memref<10000x128xf32, #tpu.memory_space<hbm>> -> memref<10000x128xf32, #tpu.memory_space<hbm>>
    tpu.enqueue_indirect_dma source(%dma_start3A_85 : memref<10000x128xf32, #tpu.memory_space<hbm>>) target(%arg8 : memref<80x128xf32, #tpu.memory_space<vmem>>) offsets(%dma_start3A_82 : memref<80xi32, #tpu.memory_space<vmem>>) semaphore(%arg11 : memref<!tpu.dma_semaphore, #tpu.memory_space<semaphore_mem>>)
    %dma_wait3A_86 = arith.constant 0 : i32
    %dma_wait3A_87 = arith.constant 0 : i32
    %dma_wait3A_88 = tpu.memref_slice %arg2[%dma_wait3A_86, %dma_wait3A_87] : memref<10000x128xf32, #tpu.memory_space<hbm>> -> memref<80x128xf32, #tpu.memory_space<hbm>>
    %dma_wait3A_89 = arith.constant 0 : i32
    %dma_wait3A_90 = arith.constant 0 : i32
    %dma_wait3A_91 = tpu.memref_slice %arg2[%dma_wait3A_89, %dma_wait3A_90] : memref<10000x128xf32, #tpu.memory_space<hbm>> -> memref<80x128xf32, #tpu.memory_space<hbm>>
    tpu.wait_dma2 semaphore(%arg12 : memref<!tpu.dma_semaphore, #tpu.memory_space<semaphore_mem>>) src(%dma_wait3A_91 : memref<80x128xf32, #tpu.memory_space<hbm>>) dst(%arg9 : memref<80x128xf32, #tpu.memory_space<vmem>>)
    "tpu.region"() ({
      %run_scoped3A = tpu.sem_alloc : memref<!tpu.dma_semaphore, #tpu.memory_space<semaphore_mem>>
      %dma_start3A_114 = arith.constant 9760 : i32
      %dma_start3A_115 = tpu.memref_slice %arg6[%dma_start3A_114] : memref<10000xi32, #tpu.memory_space<vmem>> -> memref<80xi32, #tpu.memory_space<vmem>>
      %dma_start3A_116 = arith.constant 0 : i32
      %dma_start3A_117 = arith.constant 0 : i32
      %dma_start3A_118 = tpu.memref_slice %arg13[%dma_start3A_116, %dma_start3A_117] : memref<10000x128xf32, #tpu.memory_space<vmem_shared>> -> memref<10000x128xf32, #tpu.memory_space<vmem_shared>>
      tpu.enqueue_indirect_dma source(%arg9 : memref<80x128xf32, #tpu.memory_space<vmem>>) target(%dma_start3A_118 : memref<10000x128xf32, #tpu.memory_space<vmem_shared>>) offsets(%dma_start3A_115 : memref<80xi32, #tpu.memory_space<vmem>>) semaphore(%run_scoped3A : memref<!tpu.dma_semaphore, #tpu.memory_space<semaphore_mem>>) {add = true}
      %dma_wait3A_119 = arith.constant 9760 : i32
      %dma_wait3A_120 = tpu.memref_slice %arg6[%dma_wait3A_119] : memref<10000xi32, #tpu.memory_space<vmem>> -> memref<80xi32, #tpu.memory_space<vmem>>
      %dma_wait3A_121 = arith.constant 0 : i32
      %dma_wait3A_122 = arith.constant 0 : i32
      %dma_wait3A_123 = tpu.memref_slice %arg13[%dma_wait3A_121, %dma_wait3A_122] : memref<10000x128xf32, #tpu.memory_space<vmem_shared>> -> memref<10000x128xf32, #tpu.memory_space<vmem_shared>>
      tpu.wait_indirect_dma semaphore(%run_scoped3A : memref<!tpu.dma_semaphore, #tpu.memory_space<semaphore_mem>>) src(%arg9 : memref<80x128xf32, #tpu.memory_space<vmem>>) dst(%dma_wait3A_123 : memref<10000x128xf32, #tpu.memory_space<vmem_shared>>)
      tpu.yield
    }) : () -> ()
    %dma_wait3A_92 = arith.constant 0 : i32
    %dma_wait3A_93 = arith.constant 0 : i32
    %dma_wait3A_94 = tpu.memref_slice %arg2[%dma_wait3A_92, %dma_wait3A_93] : memref<10000x128xf32, #tpu.memory_space<hbm>> -> memref<80x128xf32, #tpu.memory_space<hbm>>
    %dma_wait3A_95 = arith.constant 0 : i32
    %dma_wait3A_96 = arith.constant 0 : i32
    %dma_wait3A_97 = tpu.memref_slice %arg2[%dma_wait3A_95, %dma_wait3A_96] : memref<10000x128xf32, #tpu.memory_space<hbm>> -> memref<80x128xf32, #tpu.memory_space<hbm>>
    tpu.wait_dma2 semaphore(%arg10 : memref<!tpu.dma_semaphore, #tpu.memory_space<semaphore_mem>>) src(%dma_wait3A_97 : memref<80x128xf32, #tpu.memory_space<hbm>>) dst(%arg7 : memref<80x128xf32, #tpu.memory_space<vmem>>)
    "tpu.region"() ({
      %run_scoped3A = tpu.sem_alloc : memref<!tpu.dma_semaphore, #tpu.memory_space<semaphore_mem>>
      %dma_start3A_114 = arith.constant 9840 : i32
      %dma_start3A_115 = tpu.memref_slice %arg6[%dma_start3A_114] : memref<10000xi32, #tpu.memory_space<vmem>> -> memref<80xi32, #tpu.memory_space<vmem>>
      %dma_start3A_116 = arith.constant 0 : i32
      %dma_start3A_117 = arith.constant 0 : i32
      %dma_start3A_118 = tpu.memref_slice %arg13[%dma_start3A_116, %dma_start3A_117] : memref<10000x128xf32, #tpu.memory_space<vmem_shared>> -> memref<10000x128xf32, #tpu.memory_space<vmem_shared>>
      tpu.enqueue_indirect_dma source(%arg7 : memref<80x128xf32, #tpu.memory_space<vmem>>) target(%dma_start3A_118 : memref<10000x128xf32, #tpu.memory_space<vmem_shared>>) offsets(%dma_start3A_115 : memref<80xi32, #tpu.memory_space<vmem>>) semaphore(%run_scoped3A : memref<!tpu.dma_semaphore, #tpu.memory_space<semaphore_mem>>) {add = true}
      %dma_wait3A_119 = arith.constant 9840 : i32
      %dma_wait3A_120 = tpu.memref_slice %arg6[%dma_wait3A_119] : memref<10000xi32, #tpu.memory_space<vmem>> -> memref<80xi32, #tpu.memory_space<vmem>>
      %dma_wait3A_121 = arith.constant 0 : i32
      %dma_wait3A_122 = arith.constant 0 : i32
      %dma_wait3A_123 = tpu.memref_slice %arg13[%dma_wait3A_121, %dma_wait3A_122] : memref<10000x128xf32, #tpu.memory_space<vmem_shared>> -> memref<10000x128xf32, #tpu.memory_space<vmem_shared>>
      tpu.wait_indirect_dma semaphore(%run_scoped3A : memref<!tpu.dma_semaphore, #tpu.memory_space<semaphore_mem>>) src(%arg7 : memref<80x128xf32, #tpu.memory_space<vmem>>) dst(%dma_wait3A_123 : memref<10000x128xf32, #tpu.memory_space<vmem_shared>>)
      tpu.yield
    }) : () -> ()
    %dma_wait3A_98 = arith.constant 0 : i32
    %dma_wait3A_99 = arith.constant 0 : i32
    %dma_wait3A_100 = tpu.memref_slice %arg2[%dma_wait3A_98, %dma_wait3A_99] : memref<10000x128xf32, #tpu.memory_space<hbm>> -> memref<80x128xf32, #tpu.memory_space<hbm>>
    %dma_wait3A_101 = arith.constant 0 : i32
    %dma_wait3A_102 = arith.constant 0 : i32
    %dma_wait3A_103 = tpu.memref_slice %arg2[%dma_wait3A_101, %dma_wait3A_102] : memref<10000x128xf32, #tpu.memory_space<hbm>> -> memref<80x128xf32, #tpu.memory_space<hbm>>
    tpu.wait_dma2 semaphore(%arg11 : memref<!tpu.dma_semaphore, #tpu.memory_space<semaphore_mem>>) src(%dma_wait3A_103 : memref<80x128xf32, #tpu.memory_space<hbm>>) dst(%arg8 : memref<80x128xf32, #tpu.memory_space<vmem>>)
    "tpu.region"() ({
      %run_scoped3A = tpu.sem_alloc : memref<!tpu.dma_semaphore, #tpu.memory_space<semaphore_mem>>
      %dma_start3A_114 = arith.constant 9920 : i32
      %dma_start3A_115 = tpu.memref_slice %arg6[%dma_start3A_114] : memref<10000xi32, #tpu.memory_space<vmem>> -> memref<80xi32, #tpu.memory_space<vmem>>
      %dma_start3A_116 = arith.constant 0 : i32
      %dma_start3A_117 = arith.constant 0 : i32
      %dma_start3A_118 = tpu.memref_slice %arg13[%dma_start3A_116, %dma_start3A_117] : memref<10000x128xf32, #tpu.memory_space<vmem_shared>> -> memref<10000x128xf32, #tpu.memory_space<vmem_shared>>
      tpu.enqueue_indirect_dma source(%arg8 : memref<80x128xf32, #tpu.memory_space<vmem>>) target(%dma_start3A_118 : memref<10000x128xf32, #tpu.memory_space<vmem_shared>>) offsets(%dma_start3A_115 : memref<80xi32, #tpu.memory_space<vmem>>) semaphore(%run_scoped3A : memref<!tpu.dma_semaphore, #tpu.memory_space<semaphore_mem>>) {add = true}
      %dma_wait3A_119 = arith.constant 9920 : i32
      %dma_wait3A_120 = tpu.memref_slice %arg6[%dma_wait3A_119] : memref<10000xi32, #tpu.memory_space<vmem>> -> memref<80xi32, #tpu.memory_space<vmem>>
      %dma_wait3A_121 = arith.constant 0 : i32
      %dma_wait3A_122 = arith.constant 0 : i32
      %dma_wait3A_123 = tpu.memref_slice %arg13[%dma_wait3A_121, %dma_wait3A_122] : memref<10000x128xf32, #tpu.memory_space<vmem_shared>> -> memref<10000x128xf32, #tpu.memory_space<vmem_shared>>
      tpu.wait_indirect_dma semaphore(%run_scoped3A : memref<!tpu.dma_semaphore, #tpu.memory_space<semaphore_mem>>) src(%arg8 : memref<80x128xf32, #tpu.memory_space<vmem>>) dst(%dma_wait3A_123 : memref<10000x128xf32, #tpu.memory_space<vmem_shared>>)
      tpu.yield
    }) : () -> ()
    %barrier3A_104 = arith.constant 0 : index
    tpu.barrier barrier_id(%barrier3A_104)
    %mul3A_105 = arith.constant 624 : i32
    %mul3A_106 = arith.muli %arg1, %mul3A_105 : i32
    %mul3A_107 = arith.constant 624 : i32
    %mul3A_108 = arith.muli %arg1, %mul3A_107 : i32
    "tpu.region"() ({
      %run_scoped3A = tpu.sem_alloc : memref<!tpu.dma_semaphore, #tpu.memory_space<semaphore_mem>>
      %dma_start3A_114 = arith.constant 0 : i32
      %dma_start3A_115 = tpu.memref_slice %arg4[%arg0, %mul3A_108, %dma_start3A_114] : memref<2x10000x128xf32, #tpu.memory_space<hbm>> -> memref<1x624x128xf32, #tpu.memory_space<hbm>>
      %dma_start3A_116 = tpu.memref_squeeze %dma_start3A_115 : memref<1x624x128xf32, #tpu.memory_space<hbm>> -> memref<624x128xf32, #tpu.memory_space<hbm>>
      %dma_start3A_117 = arith.constant 0 : i32
      %dma_start3A_118 = tpu.memref_slice %arg13[%mul3A_106, %dma_start3A_117] : memref<10000x128xf32, #tpu.memory_space<vmem_shared>> -> memref<624x128xf32, #tpu.memory_space<vmem_shared>>
      tpu.enqueue_dma source(%dma_start3A_118 : memref<624x128xf32, #tpu.memory_space<vmem_shared>>) target(%dma_start3A_116 : memref<624x128xf32, #tpu.memory_space<hbm>>) target_semaphore(%run_scoped3A : memref<!tpu.dma_semaphore, #tpu.memory_space<semaphore_mem>>)
      %dma_wait3A_119 = arith.constant 0 : i32
      %dma_wait3A_120 = tpu.memref_slice %arg4[%arg0, %mul3A_108, %dma_wait3A_119] : memref<2x10000x128xf32, #tpu.memory_space<hbm>> -> memref<1x624x128xf32, #tpu.memory_space<hbm>>
      %dma_wait3A_121 = tpu.memref_squeeze %dma_wait3A_120 : memref<1x624x128xf32, #tpu.memory_space<hbm>> -> memref<624x128xf32, #tpu.memory_space<hbm>>
      %dma_wait3A_122 = arith.constant 0 : i32
      %dma_wait3A_123 = tpu.memref_slice %arg13[%mul3A_106, %dma_wait3A_122] : memref<10000x128xf32, #tpu.memory_space<vmem_shared>> -> memref<624x128xf32, #tpu.memory_space<vmem_shared>>
      tpu.wait_dma2 semaphore(%run_scoped3A : memref<!tpu.dma_semaphore, #tpu.memory_space<semaphore_mem>>) src(%dma_wait3A_123 : memref<624x128xf32, #tpu.memory_space<vmem_shared>>) dst(%dma_wait3A_121 : memref<624x128xf32, #tpu.memory_space<hbm>>)
      tpu.yield
    }) : () -> ()
    %eq3A_109 = arith.constant 15 : i32
    %eq3A_110 = arith.cmpi eq, %arg1, %eq3A_109 : i32
    %convert_element_type3A_111 = arith.extui %eq3A_110 : i1 to i32
    %cond3A_112 = arith.constant 0 : i32
    %cond3A_113 = arith.cmpi ne, %convert_element_type3A_111, %cond3A_112 : i32
    scf.if %cond3A_113 {
      "tpu.region"() ({
        %run_scoped3A = tpu.sem_alloc : memref<!tpu.dma_semaphore, #tpu.memory_space<semaphore_mem>>
        %dma_start3A_114 = arith.constant 9984 : i32
        %dma_start3A_115 = arith.constant 0 : i32
        %dma_start3A_116 = tpu.memref_slice %arg4[%arg0, %dma_start3A_114, %dma_start3A_115] : memref<2x10000x128xf32, #tpu.memory_space<hbm>> -> memref<1x16x128xf32, #tpu.memory_space<hbm>>
        %dma_start3A_117 = tpu.memref_squeeze %dma_start3A_116 : memref<1x16x128xf32, #tpu.memory_space<hbm>> -> memref<16x128xf32, #tpu.memory_space<hbm>>
        %dma_start3A_118 = arith.constant 9984 : i32
        %dma_start3A_119 = arith.constant 0 : i32
        %dma_start3A_120 = tpu.memref_slice %arg13[%dma_start3A_118, %dma_start3A_119] : memref<10000x128xf32, #tpu.memory_space<vmem_shared>> -> memref<16x128xf32, #tpu.memory_space<vmem_shared>>
        tpu.enqueue_dma source(%dma_start3A_120 : memref<16x128xf32, #tpu.memory_space<vmem_shared>>) target(%dma_start3A_117 : memref<16x128xf32, #tpu.memory_space<hbm>>) target_semaphore(%run_scoped3A : memref<!tpu.dma_semaphore, #tpu.memory_space<semaphore_mem>>)
        %dma_wait3A_121 = arith.constant 9984 : i32
        %dma_wait3A_122 = arith.constant 0 : i32
        %dma_wait3A_123 = tpu.memref_slice %arg4[%arg0, %dma_wait3A_121, %dma_wait3A_122] : memref<2x10000x128xf32, #tpu.memory_space<hbm>> -> memref<1x16x128xf32, #tpu.memory_space<hbm>>
        %dma_wait3A_124 = tpu.memref_squeeze %dma_wait3A_123 : memref<1x16x128xf32, #tpu.memory_space<hbm>> -> memref<16x128xf32, #tpu.memory_space<hbm>>
        %dma_wait3A_125 = arith.constant 9984 : i32
        %dma_wait3A_126 = arith.constant 0 : i32
        %dma_wait3A_127 = tpu.memref_slice %arg13[%dma_wait3A_125, %dma_wait3A_126] : memref<10000x128xf32, #tpu.memory_space<vmem_shared>> -> memref<16x128xf32, #tpu.memory_space<vmem_shared>>
        tpu.wait_dma2 semaphore(%run_scoped3A : memref<!tpu.dma_semaphore, #tpu.memory_space<semaphore_mem>>) src(%dma_wait3A_127 : memref<16x128xf32, #tpu.memory_space<vmem_shared>>) dst(%dma_wait3A_124 : memref<16x128xf32, #tpu.memory_space<hbm>>)
        tpu.yield
      }) : () -> ()
    } else {
    }
    return
  }
}

module attributes {stable_mosaic.version = 14 : i64} {
  func.func @_neigh_body(%arg0: i32, %arg1: memref<2000x128xf32, #tpu.memory_space<vmem>>, %arg2: memref<1x2000x128xf32, #tpu.memory_space<vmem>>, %arg3: memref<1x2000x128xf32, #tpu.memory_space<vmem>>, %arg4: memref<128x128xf32, #tpu.memory_space<vmem>>, %arg5: memref<2000x128xf32, #tpu.memory_space<vmem>>) attributes {dimension_semantics = [#tpu.dimension_semantics<arbitrary>], iteration_bounds = array<i64: 5>, scalar_prefetch = 0 : i64, scratch_operands = 0 : i64, tpu.core_type = #tpu.core_type<tc>, window_params = [{transform_indices = @transform_0, window_bounds = array<i64: 2000, 128>}, {transform_indices = @transform_1, window_bounds = array<i64: 1, 2000, 128>}, {transform_indices = @transform_2, window_bounds = array<i64: 1, 2000, 128>}, {pipeline_mode = #tpu.pipeline_mode<synchronous>, transform_indices = @transform_3, window_bounds = array<i64: 128, 128>}, {transform_indices = @transform_4, window_bounds = array<i64: 2000, 128>}]} {
    %get3A = arith.constant 0 : index
    %get3A_0 = arith.constant 0 : index
    %get3A_1 = vector.load %arg1[%get3A, %get3A_0] : memref<2000x128xf32, #tpu.memory_space<vmem>>, vector<2000x128xf32>
    %get3A_2 = arith.constant 0 : index
    %get3A_3 = arith.constant 0 : index
    %get3A_4 = arith.constant 0 : index
    %get3A_5 = vector.load %arg2[%get3A_2, %get3A_3, %get3A_4] : memref<1x2000x128xf32, #tpu.memory_space<vmem>>, vector<1x2000x128xf32>
    %get3A_6 = vector.shape_cast %get3A_5 : vector<1x2000x128xf32> to vector<2000x128xf32>
    %get3A_7 = arith.constant 0 : index
    %get3A_8 = arith.constant 0 : index
    %get3A_9 = arith.constant 0 : index
    %get3A_10 = vector.load %arg3[%get3A_7, %get3A_8, %get3A_9] : memref<1x2000x128xf32, #tpu.memory_space<vmem>>, vector<1x2000x128xf32>
    %get3A_11 = vector.shape_cast %get3A_10 : vector<1x2000x128xf32> to vector<2000x128xf32>
    %add3A = arith.addf %get3A_6, %get3A_11 : vector<2000x128xf32>
    %get3A_12 = arith.constant 0 : index
    %get3A_13 = arith.constant 0 : index
    %get3A_14 = vector.load %arg4[%get3A_12, %get3A_13] : memref<128x128xf32, #tpu.memory_space<vmem>>, vector<128x128xf32>
    %dot_general3A = arith.constant dense<0.000000e+00> : vector<2000x128xf32>
    %dot_general3A_15 = tpu.matmul %add3A, %get3A_14, %dot_general3A {dimension_numbers = #tpu.dot_dimension_numbers<[1], [0], [0], [1], [0, 0, 1, 1], [], []>, transpose_lhs_hint = false} : vector<2000x128xf32>, vector<128x128xf32>, vector<2000x128xf32> -> vector<2000x128xf32>
    %add3A_16 = arith.addf %get3A_1, %dot_general3A_15 : vector<2000x128xf32>
    %swap3A = arith.constant 0 : index
    %swap3A_17 = arith.constant 0 : index
    %swap3A_18 = vector.load %arg5[%swap3A, %swap3A_17] : memref<2000x128xf32, #tpu.memory_space<vmem>>, vector<2000x128xf32>
    tpu.vector_store %arg5[%swap3A, %swap3A_17], %add3A_16 {strides = array<i32>} : memref<2000x128xf32, #tpu.memory_space<vmem>>, vector<2000x128xf32>,
    return
  }
  func.func @transform_0(%arg0: i32) -> (i32, i32) {
    %c0_i32 = arith.constant 0 : i32
    %c0_i32_0 = arith.constant 0 : i32
    return %arg0, %c0_i32 : i32, i32
  }
  func.func @transform_1(%arg0: i32) -> (i32, i32, i32) {
    %c0_i32 = arith.constant 0 : i32
    %c0_i32_0 = arith.constant 0 : i32
    %c0_i32_1 = arith.constant 0 : i32
    return %c0_i32, %arg0, %c0_i32_0 : i32, i32, i32
  }
  func.func @transform_2(%arg0: i32) -> (i32, i32, i32) {
    %c1_i32 = arith.constant 1 : i32
    %c0_i32 = arith.constant 0 : i32
    %c0_i32_0 = arith.constant 0 : i32
    return %c1_i32, %arg0, %c0_i32 : i32, i32, i32
  }
  func.func @transform_3(%arg0: i32) -> (i32, i32) {
    %c0_i32 = arith.constant 0 : i32
    %c0_i32_0 = arith.constant 0 : i32
    %c0_i32_1 = arith.constant 0 : i32
    return %c0_i32, %c0_i32_0 : i32, i32
  }
  func.func @transform_4(%arg0: i32) -> (i32, i32) {
    %c0_i32 = arith.constant 0 : i32
    %c0_i32_0 = arith.constant 0 : i32
    return %arg0, %c0_i32 : i32, i32
  }
}

module attributes {stable_mosaic.version = 14 : i64} {
  func.func @_root_body(%arg0: i32, %arg1: memref<2000x128xf32, #tpu.memory_space<vmem>>, %arg2: memref<128x128xf32, #tpu.memory_space<vmem>>, %arg3: memref<1x128xf32, #tpu.memory_space<vmem>>, %arg4: memref<2000x128xf32, #tpu.memory_space<vmem>>) attributes {dimension_semantics = [#tpu.dimension_semantics<arbitrary>], iteration_bounds = array<i64: 5>, scalar_prefetch = 0 : i64, scratch_operands = 0 : i64, tpu.core_type = #tpu.core_type<tc>, window_params = [{transform_indices = @transform_0, window_bounds = array<i64: 2000, 128>}, {pipeline_mode = #tpu.pipeline_mode<synchronous>, transform_indices = @transform_1, window_bounds = array<i64: 128, 128>}, {pipeline_mode = #tpu.pipeline_mode<synchronous>, transform_indices = @transform_2, window_bounds = array<i64: 1, 128>}, {transform_indices = @transform_3, window_bounds = array<i64: 2000, 128>}]} {
    %get3A = arith.constant 0 : index
    %get3A_0 = arith.constant 0 : index
    %get3A_1 = vector.load %arg1[%get3A, %get3A_0] : memref<2000x128xf32, #tpu.memory_space<vmem>>, vector<2000x128xf32>
    %get3A_2 = arith.constant 0 : index
    %get3A_3 = arith.constant 0 : index
    %get3A_4 = vector.load %arg2[%get3A_2, %get3A_3] : memref<128x128xf32, #tpu.memory_space<vmem>>, vector<128x128xf32>
    %dot_general3A = arith.constant dense<0.000000e+00> : vector<2000x128xf32>
    %dot_general3A_5 = tpu.matmul %get3A_1, %get3A_4, %dot_general3A {dimension_numbers = #tpu.dot_dimension_numbers<[1], [0], [0], [1], [0, 0, 1, 1], [], []>, transpose_lhs_hint = false} : vector<2000x128xf32>, vector<128x128xf32>, vector<2000x128xf32> -> vector<2000x128xf32>
    %get3A_6 = arith.constant 0 : index
    %get3A_7 = arith.constant 0 : index
    %get3A_8 = vector.load %arg3[%get3A_6, %get3A_7] : memref<1x128xf32, #tpu.memory_space<vmem>>, vector<1x128xf32>
    %add3A = vector.broadcast %get3A_8 : vector<1x128xf32> to vector<2000x128xf32>
    %add3A_9 = arith.addf %dot_general3A_5, %add3A : vector<2000x128xf32>
    %swap3A = arith.constant 0 : index
    %swap3A_10 = arith.constant 0 : index
    %swap3A_11 = vector.load %arg4[%swap3A, %swap3A_10] : memref<2000x128xf32, #tpu.memory_space<vmem>>, vector<2000x128xf32>
    tpu.vector_store %arg4[%swap3A, %swap3A_10], %add3A_9 {strides = array<i32>} : memref<2000x128xf32, #tpu.memory_space<vmem>>, vector<2000x128xf32>,
    return
  }
  func.func @transform_0(%arg0: i32) -> (i32, i32) {
    %c0_i32 = arith.constant 0 : i32
    %c0_i32_0 = arith.constant 0 : i32
    return %arg0, %c0_i32 : i32, i32
  }
  func.func @transform_1(%arg0: i32) -> (i32, i32) {
    %c0_i32 = arith.constant 0 : i32
    %c0_i32_0 = arith.constant 0 : i32
    %c0_i32_1 = arith.constant 0 : i32
    return %c0_i32, %c0_i32_0 : i32, i32
  }
  func.func @transform_2(%arg0: i32) -> (i32, i32) {
    %c0_i32 = arith.constant 0 : i32
    %c0_i32_0 = arith.constant 0 : i32
    %c0_i32_1 = arith.constant 0 : i32
    return %c0_i32, %c0_i32_0 : i32, i32
  }
  func.func @transform_3(%arg0: i32) -> (i32, i32) {
    %c0_i32 = arith.constant 0 : i32
    %c0_i32_0 = arith.constant 0 : i32
    return %arg0, %c0_i32 : i32, i32
  }
}

</mosaic_0001>

<sc_bundles>
// kernel: kernel.5.cloned.1.call-start
scs
__scs_entry_jumppad:
0x0: {  	(pc) =	sbr.rel $0x88, $3  }
0x1: {  	(tag) =	ssettag $0x0;
	lr =	simm.s32 $0x1  }
0x2: {  	[smem:$0x3F9C] =	sst lr;
	_ =	strace $0xD0000000  }
0x3: {  	_ = 	snop  }
0x4: {  	_ = 	snop  }
0x5: {  	_ = 	snop  }
0x6: {  	_ = 	snop  }
0x7: {  	_ = 	snop  }
__scs_overlays_trampoline_lowered:
0x8: {  	[smem:$0x3FAB] =	sst s0  }
0x9: {  	[smem:$0x3FAC] =	sst s1  }
0xa: {  	[smem:$0x3FAD] =	sst s2  }
0xb: {  	[smem:$0x3FAE] =	sst s3  }
0xc: {  	[smem:$0x3FAF] =	sst s4  }
0xd: {  	[smem:$0x3FB0] =	sst s5  }
0xe: {  	[smem:$0x3FB1] =	sst s6  }
0xf: {  	[smem:$0x3FB2] =	sst s7  }
0x10: {  	[smem:$0x3FB3] =	sst s8  }
0x11: {  	[smem:$0x3FB4] =	sst s9;
	s0 =	simm.s32 @!p0 $0x0  }
0x12: {  	s1 =	sld [smem:$0x3F9A];
	s0 =	simm.s32 @p0 $0x1  }
0x13: {  	[smem:$0x3FB5] =	sst s0;
	s0 =	simm.s32 @!p1 $0x0  }
0x14: {  	s2 =	sld [smem:$0x3F99];
	s0 =	simm.s32 @p1 $0x1  }
0x15: {  	[smem:$0x3FB6] =	sst s0;
	s0 =	simm.s32 @!p2 $0x0  }
0x16: {  	s3 =	sld [smem:$0x3FDB];
	s0 =	simm.s32 @p2 $0x1  }
0x17: {  	s4 =	simm.s32 $0x1BF5;
	[smem:$0x3FB8] =	sst s0  }
0x18: {  	s0 =	sld [smem:$0x3F9B];
	_ =	swait.ge [sflag:s4], $0x0  }
0x19: {  	s7 =	sld [smem:$0x3F9C]  }
0x1a: {  	s8 =	sadd.s32 $0xFFFFE003, lr  }
0x1b: {  	s9 =	sadd.s32 $0xFFFFFEF7, lr;
	s5 =	simm.s32 $0xFFFFFFFF;
	p2 =	slt.u32 s8, $0xFFFFF086  }
0x1c: {  	p1 =	slt.u32 s9, $0xF7A;
	s5 =	simm.s32 @!p2 $0x0  }
0x1d: {  	s5 =	simm.s32 @p1 $0x1;
	p0 =	seq.s32 s7, s2  }
0x1e: {  	s7 =	smul.u32 @!p0 $0xF7A, s2;
	p2 =	seq.s32 @!p0 s5, $0x0  }
0x1f: {  	s9 =	smul.u32 $0xF7A, s1;
	s8 =	simm.s32 @!p0 $0x1BF5;
	p2 =	por !p2, p0  }
0x20: {  	[sflag:s8] =	ssyncset.s32 @!p0 $0xFFFFF086;
	s6 =	sadd.s32 @!p0 s3, s7;
	s7 =	simm.s32 @!p0 $0x108  }
0x21: {  	s3 =	sadd.s32 s3, s9;
	s6 =	sadd.s32 @!p0 $0x88, s6;
	s7 =	simm.s32 @p2 $0x1082  }
0x22: {  	[simem:s7], [sflag:s8] =	dma.local @!p0 [hbm:s6], $0xF7A  }
0x23: {  	s9 =	sor.u32 $0xD0000000, s2;
	s6 =	simm.s32 $0x108;
	_ =	swait.ge @!p0 [sflag:s8], $0x0  }
0x24: {  	s3 =	sadd.s32 $0x88, s3;
	s6 =	simm.s32 @!p1 $0x1082;
	[sflag:s4] =	ssyncset.s32 $0xFFFFF086  }
0x25: {  	[simem:s6], [sflag:s4] =	dma.local [hbm:s3], $0xF7A  }
0x26: {  	[smem:$0x3F9C] =	sst s1;
	(tag) =	ssettag s2;
	_ =	strace s9  }
0x27: {  	s1 =	sld [smem:$0x3FAC]  }
0x28: {  	s2 =	sld [smem:$0x3FAD]  }
0x29: {  	s4 =	sld [smem:$0x3FAF]  }
0x2a: {  	p0 =	seq.s32 s5, $0x0;
	s5 =	sld [smem:$0x3FB0]  }
0x2b: {  	s6 =	sld [smem:$0x3FB1]  }
0x2c: {  	s7 =	sld [smem:$0x3FB2]  }
0x2d: {  	s3 =	simm.s32 $0x108;
	s8 =	sld [smem:$0x3FB3]  }
0x2e: {  	s3 =	simm.s32 @!p0 $0x1082;
	s9 =	sld [smem:$0x3FB4]  }
0x2f: {  	lr =	sadd.s32 s0, s3;
	s0 =	sld [smem:$0x3FAB]  }
0x30: {  	s3 =	sld [smem:$0x3FAE]  }
0x31: {  	[smem:$0x3FB7] =	sst s10  }
0x32: {  	s10 =	sld [smem:$0x3FB5];
	_ =	sdelay $0x3  }
0x33: {  	p0 =	seq.s32 s10, $0x1;
	s10 =	sld [smem:$0x3FB7];
	_ =	sdelay $0x3  }
0x34: {  	[smem:$0x3FB7] =	sst s10  }
0x35: {  	s10 =	sld [smem:$0x3FB6];
	_ =	sdelay $0x3  }
0x36: {  	p1 =	seq.s32 s10, $0x1;
	s10 =	sld [smem:$0x3FB7];
	_ =	sdelay $0x3  }
0x37: {  	[smem:$0x3FB7] =	sst s10  }
0x38: {  	s10 =	sld [smem:$0x3FB8]  }
0x39: {  	_ = 	snop;
	(pc) =	sbr.ind lr, $3  }
0x3a: {  	_ = 	snop  }
0x3b: {  	_ = 	snop  }
0x3c: {  	p2 =	seq.s32 s10, $0x1;
	s10 =	sld [smem:$0x3FB7]  }
0x3d: {  	_ =	shalt  }
0x3e: {  	_ =	shalt  }
0x3f: {  	_ =	shalt  }
0x40: {  	_ =	shalt  }
0x41: {  	_ =	shalt  }
0x42: {  	_ =	shalt  }
0x43: {  	_ =	shalt  }
0x44: {  	_ =	shalt  }
0x45: {  	_ =	shalt  }
0x46: {  	_ =	shalt  }
0x47: {  	_ =	shalt  }
0x48: {  	_ =	shalt  }
0x49: {  	_ =	shalt  }
0x4a: {  	_ =	shalt  }
0x4b: {  	_ =	shalt  }
0x4c: {  	_ =	shalt  }
0x4d: {  	_ =	shalt  }
0x4e: {  	_ =	shalt  }
0x4f: {  	_ =	shalt  }
0x50: {  	_ =	shalt  }
0x51: {  	_ =	shalt  }
0x52: {  	_ =	shalt  }
0x53: {  	_ =	shalt  }
0x54: {  	_ =	shalt  }
0x55: {  	_ =	shalt  }
0x56: {  	_ =	shalt  }
0x57: {  	_ =	shalt  }
0x58: {  	_ =	shalt  }
0x59: {  	_ =	shalt  }
0x5a: {  	_ =	shalt  }
0x5b: {  	_ =	shalt  }
0x5c: {  	_ =	shalt  }
0x5d: {  	_ =	shalt  }
0x5e: {  	_ =	shalt  }
0x5f: {  	_ =	shalt  }
0x60: {  	_ =	shalt  }
0x61: {  	_ =	shalt  }
0x62: {  	_ =	shalt  }
0x63: {  	_ =	shalt  }
0x64: {  	_ =	shalt  }
0x65: {  	_ =	shalt  }
0x66: {  	_ =	shalt  }
0x67: {  	_ =	shalt  }
0x68: {  	_ =	shalt  }
0x69: {  	_ =	shalt  }
0x6a: {  	_ =	shalt  }
0x6b: {  	_ =	shalt  }
0x6c: {  	_ =	shalt  }
0x6d: {  	_ =	shalt  }
0x6e: {  	_ =	shalt  }
0x6f: {  	_ =	shalt  }
0x70: {  	_ =	shalt  }
0x71: {  	_ =	shalt  }
0x72: {  	_ =	shalt  }
0x73: {  	_ =	shalt  }
0x74: {  	_ =	shalt  }
0x75: {  	_ =	shalt  }
0x76: {  	_ =	shalt  }
0x77: {  	_ =	shalt  }
0x78: {  	_ =	shalt  }
0x79: {  	_ =	shalt  }
0x7a: {  	_ =	shalt  }
0x7b: {  	_ =	shalt  }
0x7c: {  	_ =	shalt  }
0x7d: {  	_ =	shalt  }
0x7e: {  	_ =	shalt  }
0x7f: {  	_ =	shalt  }
0x80: {  	_ =	shalt  }
0x81: {  	_ =	shalt  }
0x82: {  	_ =	shalt  }
0x83: {  	_ =	shalt  }
0x84: {  	_ =	shalt  }
0x85: {  	_ =	shalt  }
0x86: {  	_ =	shalt  }
0x87: {  	_ =	shalt  }
.Lfunc_end0:
.L_simem_size_0:
called_computation_lowered:
.L_overlay_start_0:
0x88: {  	s2 =	sld [smem:$0x3FD9]  }
0x89: {  	s3 =	sld [smem:$0x3FFE];
	_ =	sdelay $0x1  }
0x8a: {  	s1 =	srdreg.scid  }
0x8b: {  	s0 =	sand.u32 $0x1, s1  }
0x8c: {  	s17 =	sshll.u32 s0, $0xA;
	s2 =	sadd.s32 s3, s2  }
0x8d: {  	s2 =	sadd.s32 s2, s17  }
0x8e: {  	[smem:$0x3FC3] =	sst s2  }
0x8f: {  	_ = 	snop  }
0x90: {  	s2 =	sld [smem:$0x3FC9]  }
0x91: {  	s18 =	sld [smem:$0x3FD0];
	(tm) =	ssettm $0x1  }
0x92: {  	s4 =	sld [smem:$0x3FFB];
	_ =	sdelay $0x3  }
0x93: {  	_ =	strace s4  }
0x94: {  	s4 =	sld [smem:$0x3FFC];
	_ =	sdelay $0x3  }
0x95: {  	_ =	strace s4  }
0x96: {  	s4 =	sld [smem:$0x3FFD];
	_ =	sdelay $0x3  }
0x97: {  	_ =	strace s4  }
0x98: {  	_ =	strace $0x8FFFFFFF  }
0x99: {  	s19 =	sld [smem:$0x3FDB];
	_ =	sdelay $0x1  }
0x9a: {  	s5 =	simm.s32 $_scs_section_size  }
0x9b: {  	s6 =	simm.s32 $_size__tile_overlayer_lowered;
	s7 =	simm.s32 $_tile_overlayer_lowered  }
0x9c: {  	s22 =	simm.s32 $0x1BFF;
	s21 =	sshll.u32 s7, $0x1;
	s4 =	sadd.s32 s5, s19  }
0x9d: {  	s8 =	simm.s32 $0x0;
	s20 =	sshll.u32 s6, $0x1;
	s6 =	sadd.s32 s21, s4  }
0x9e: {  	[timem:s8], [sflag:s22] =	dma.local [hbm:s6], s20  }
0x9f: {  	_ =	swait.ge [sflag:s22], s20  }
0xa0: {  	s5 =	ssub.s32 $0x0, s20;
	[sflag:s22] =	ssyncset.done $0x0  }
0xa1: {  	[sflag:s22] =	ssyncadd.s32 s5;
	_ =	sdelay $0x1  }
0xa2: {  	s23 =	simm.s32 $0x1B8B  }
0xa3: {  	_ =	swait.ge [sflag:s23], $0x1  }
0xa4: {  	[sflag:s23] =	ssyncset.done $0x0  }
0xa5: {  	s25 =	simm.s32 $0x1B8E;
	s24 =	sld [smem:$0x3FFE];
	[sflag:s23] =	ssyncadd.s32 $0xFFFFFFFF  }
0xa6: {  	s26 =	simm.s32 $execute0_lowered;
	[smem:$0x3FD2] =	sst s25  }
0xa7: {  	s6 =	sshll.u32 s26, $0x1;
	_ =	strace $0x80000046;
	[dreg:$0x1] =	wrdreg $0xFFFFFFFF  }
0xa8: {  	s28 =	simm.s32 $_size_execute0_lowered;
	s4 =	sadd.s32 s4, s6;
	[dreg:$0x0] =	wrdreg $0x0  }
0xa9: {  	s6 =	sshll.u32 s28, $0x1;
	[dreg:$0x2] =	wrdreg s4  }
0xaa: {  	[dreg:$0x3] =	wrdreg s6  }
0xab: {  	[dreg:$0x4] =	wrdreg $0xC0  }
0xac: {  	_ =	task [dreg:s8], $0x5FFFF  }
0xad: {  	[dreg:$0x1] =	wrdreg $0xFFFFFFFF  }
0xae: {  	[dreg:$0x0] =	wrdreg $0x60  }
0xaf: {  	[dreg:$0x2] =	wrdreg s2  }
0xb0: {  	[dreg:$0x3] =	wrdreg s18  }
0xb1: {  	[dreg:$0x4] =	wrdreg s24  }
0xb2: {  	[dreg:$0x5] =	wrdreg $0xC7000  }
0xb3: {  	[dreg:$0x6] =	wrdreg $0x9  }
0xb4: {  	_ =	task.clear_ibuf [dreg:s8], $0x7FFFF;
	_ =	strace $0x90000046  }
0xb5: {  	s29 =	simm.s32 $0x9;
	_ =	strace $0x80000048  }
0xb6: {  	_ =	swait.ge [sflag:s29], $0x1  }
0xb7: {  	[sflag:s29] =	ssyncadd.s32 $0xFFFFFFFF  }
0xb8: {  	_ =	strace $0x90000048  }
0xb9: {  	_ =	sfence  }
0xba: {  	s30 =	sld [smem:$0x0];
	_ =	sdelay $0x2  }
0xbb: {  	s31 =	sshll.u32 s1, $0xD;
	s1 =	sshrl.u32 s1, $0x2  }
0xbc: {  	s3 =	sand.u32 $0x4000, s31;
	s1 =	sadd.s32 s1, s30  }
0xbd: {  	s0 =	sor.u32 s3, s0;
	s1 =	sshll.u32 s1, $0x11  }
0xbe: {  	s0 =	sor.u32 s1, s0  }
0xbf: {  	s0 =	sadd.s32 $0x8F2B, s0  }
0xc0: {  	[sflag:s0] =	ssyncadd.remote.s32 $0x1  }
0xc1: {  	_ =	sfence.sel $0xFFFF  }
0xc2: {  	[dreg:$0x0] =	wrdreg $0xFFFFFFFF;
	(pc) =	sbr.abs _section_cstart, $3  }
0xc3: {  	[dreg:$0x1] =	wrdreg $0xFFFFFFFF  }
0xc4: {  	_ =	task.clear_ibuf [dreg:s8], $0x2FFFF;
	_ =	strace $0x9FFFFFFF  }
0xc5: {  	(tm) =	ssettm $0x7FFFFFFF  }
tec
execute0_lowered:
.L_overlay_start_1:
0x0: {  	(tag) =	ssettag $0x1  }
0x1: {  	s1 =	rddreg [dreg:$0x0]  }
0x2: {  	s0 =	rddreg [dreg:$0x1]  }
0x3: {  	s2 =	rddreg [dreg:$0x2]  }
0x4: {  	s3 =	rddreg [dreg:$0x3]  }
0x5: {  	s4 =	simm.s32 $0x0;
	s5 =	srdreg.scid;
	s19 =	stileid.u32  }
0x6: {  	s20 =	simm.s32 $0x4;
	s22 =	simm.s32 $0x50;
	s23 =	simm.s32 $0x7700  }
0x7: {  	s28 =	simm.s32 $0x2;
	s29 =	simm.s32 $0x3;
	s24 =	simm.s32 $0x4DF0  }
0x8: {  	s30 =	simm.s32 $0x4E40;
	[smem:$0x7FF] =	sst s4;
	s10 =	sand.u32 $0x1, s5  }
0x9: {  	s25 =	smul.u32 $0x4E000, s19;
	s2 =	sadd.s32 $0x1400, s2;
	s8 =	sshll.u32 s19, $0x1  }
0xa: {  	s16 =	smul.u32 $0x13800, s19;
	s13 =	sadd.s32 $0x138000, s3;
	p0 =	sne.s32 s19, $0xF  }
0xb: {  	s19 =	simm.s32 $0x4F00;
	_ =	strace $0x80000047;
	s6 =	ssub.s32 $0x2, s10  }
0xc: {  	s8 =	sor.u32 s10, s8;
	s15 =	smul.u32 $0x138800, s10;
	s7 =	sshrl.u32 s6, $0x1  }
0xd: {  	s5 =	sshrl.u32 s25, $0x2;
	s14 =	smul.u32 $0x2710, s8;
	s25 =	simm.s32 $0x9F00  }
0xe: {  	s18 =	ssub.s32 s6, s7;
	s5 =	sadd.s32 s5, s3;
	s26 =	sadd.s32 s16, s15  }
0xf: {  	s31 =	sshrl.u32 s15, $0x3;
	s6 =	sadd.s32 $0x2800, s5;
	s7 =	sadd.s32 $0x5000, s5  }
0x10: {  	s8 =	sadd.s32 $0x7800, s5;
	s9 =	sadd.s32 $0xA000, s5;
	s10 =	sadd.s32 $0xC800, s5  }
0x11: {  	s11 =	sadd.s32 $0xF000, s5;
	s12 =	sadd.s32 $0x11800, s5;
	s14 =	sshrl.u32 s14, $0x3  }
0x12: {  	s17 =	sadd.s32 s2, s31;
	s18 =	smax.u32 s18, $0x1;
	s14 =	sadd.s32 s0, s14  }
0x13: {  	s0 =	sshrl.u32 s26, $0x3;
	s17 =	sadd.s32 $0x27000, s17;
	s26 =	simm.s32 $0x1  }
0x14: {  	v0 =	vimm.f32 $0.0e+00;
	s15 =	sadd.s32 $0x9C40, s14;
	s16 =	sadd.s32 s2, s0;
	s2 =	simm.s32 $0x4DA0  }
.LBB2_1:
0x15: {  	s31 =	simm.s32 $0x0;
	s0 =	simm.s32 $0x200  }
.LBB2_2:
0x16: {  	p1 =	sne.s32 s0, $0x9E00;
	[tilespmem:s31+$0x4F70] =	vst v0  }
0x17: {  	[tilespmem:s31+$0x4F00] =	vst v0  }
0x18: {  	[tilespmem:s31+$0x4F10] =	vst v0  }
.Ltmp0:
0x19: {  	[tilespmem:s31+$0x4F20] =	vst v0;
	(pc) =	sbr.rel @p1 .LBB2_2-.Ltmp0, $4  }
0x1a: {  	[tilespmem:s31+$0x4F30] =	vst v0  }
0x1b: {  	[tilespmem:s31+$0x4F40] =	vst v0  }
0x1c: {  	[tilespmem:s31+$0x4F50] =	vst v0  }
0x1d: {  	[tilespmem:s31+$0x4F60] =	vst v0;
	s31 =	sshra.s32 s0, $0x2;
	s0 =	sadd.s32 $0x200, s0  }
0x1e: {  	[tilespmem:s31+$0x4F70] =	vst v0  }
0x1f: {  	[tilespmem:s31+$0x4F00] =	vst v0  }
0x20: {  	[tilespmem:s31+$0x4F10] =	vst v0  }
0x21: {  	[tilespmem:s31+$0x4F20] =	vst v0  }
0x22: {  	[tilespmem:s31+$0x4F30] =	vst v0  }
0x23: {  	[tilespmem:s31+$0x4F40] =	vst v0  }
0x24: {  	[tilespmem:s31+$0x4F50] =	vst v0  }
0x25: {  	[tilespmem:s31+$0x4F60] =	vst v0  }
0x26: {  	[spmem:s5] =	stream.linear.scatter [tilespmem:s19], [sflag:$0x4], $0x2800, $0x38;
	[tilespmem:$0x1FF80] =	vst v63  }
0x27: {  	_ =	swait.ge [sflag:s20], $0x2800  }
0x28: {  	[sflag:s20] =	ssyncset.done $0x0  }
0x29: {  	[sflag:s20] =	ssyncadd.s32 $0xFFFFD800  }
0x2a: {  	[spmem:s6] =	stream.linear.scatter [tilespmem:s19], [sflag:$0x4], $0x2800, $0x38;
	[tilespmem:$0x1FF80] =	vst v63  }
0x2b: {  	_ =	swait.ge [sflag:s20], $0x2800  }
0x2c: {  	[sflag:s20] =	ssyncset.done $0x0  }
0x2d: {  	[sflag:s20] =	ssyncadd.s32 $0xFFFFD800  }
0x2e: {  	[spmem:s7] =	stream.linear.scatter [tilespmem:s19], [sflag:$0x4], $0x2800, $0x38;
	[tilespmem:$0x1FF80] =	vst v63  }
0x2f: {  	_ =	swait.ge [sflag:s20], $0x2800  }
0x30: {  	[sflag:s20] =	ssyncset.done $0x0  }
0x31: {  	[sflag:s20] =	ssyncadd.s32 $0xFFFFD800  }
0x32: {  	[spmem:s8] =	stream.linear.scatter [tilespmem:s19], [sflag:$0x4], $0x2800, $0x38;
	[tilespmem:$0x1FF80] =	vst v63  }
0x33: {  	_ =	swait.ge [sflag:s20], $0x2800  }
0x34: {  	[sflag:s20] =	ssyncset.done $0x0  }
0x35: {  	[sflag:s20] =	ssyncadd.s32 $0xFFFFD800  }
0x36: {  	[spmem:s9] =	stream.linear.scatter [tilespmem:s19], [sflag:$0x4], $0x2800, $0x38;
	[tilespmem:$0x1FF80] =	vst v63  }
0x37: {  	_ =	swait.ge [sflag:s20], $0x2800  }
0x38: {  	[sflag:s20] =	ssyncset.done $0x0  }
0x39: {  	[sflag:s20] =	ssyncadd.s32 $0xFFFFD800  }
0x3a: {  	[spmem:s10] =	stream.linear.scatter [tilespmem:s19], [sflag:$0x4], $0x2800, $0x38;
	[tilespmem:$0x1FF80] =	vst v63  }
0x3b: {  	_ =	swait.ge [sflag:s20], $0x2800  }
0x3c: {  	[sflag:s20] =	ssyncset.done $0x0  }
0x3d: {  	[sflag:s20] =	ssyncadd.s32 $0xFFFFD800  }
0x3e: {  	[spmem:s11] =	stream.linear.scatter [tilespmem:s19], [sflag:$0x4], $0x2800, $0x38;
	[tilespmem:$0x1FF80] =	vst v63  }
0x3f: {  	_ =	swait.ge [sflag:s20], $0x2800  }
0x40: {  	[sflag:s20] =	ssyncset.done $0x0  }
0x41: {  	[sflag:s20] =	ssyncadd.s32 $0xFFFFD800  }
0x42: {  	[spmem:s12] =	stream.linear.scatter [tilespmem:s19], [sflag:$0x4], $0x2000, $0x38;
	[tilespmem:$0x1FF80] =	vst v63  }
0x43: {  	_ =	swait.ge [sflag:s20], $0x2000  }
0x44: {  	[sflag:s20] =	ssyncset.done $0x0  }
0x45: {  	s0 =	simm.s32 @!p0 $0x4F00;
	[sflag:s20] =	ssyncadd.s32 $0xFFFFE000  }
0x46: {  	[spmem:s13] =	stream.linear.scatter @!p0 [tilespmem:s0], [sflag:$0x4], $0x800, $0x38;
	[tilespmem:$0x1FF80] =	vst v63  }
0x47: {  	s0 =	simm.s32 @!p0 $0x4  }
0x48: {  	_ =	swait.ge @!p0 [sflag:s0], $0x800  }
0x49: {  	[sflag:s0] =	ssyncset.done @!p0 $0x0  }
0x4a: {  	[sflag:s0] =	ssyncadd.s32 @!p0 $0xFFFFF800;
	s0 =	simm.s32 $0x0  }
0x4b: {  	[tilespmem:s0], [sflag:$0x4] =	stream.linear.gather [hbm4b:s14+s0], $0x2710, $0x38;
	[tilespmem:$0x1FF80] =	vst v63  }
0x4c: {  	_ =	swait.ge [sflag:s20], $0x2710  }
0x4d: {  	[sflag:s20] =	ssyncset.done $0x0  }
0x4e: {  	s21 =	simm.s32 $0x2780;
	[sflag:s20] =	ssyncadd.s32 $0xFFFFD8F0  }
0x4f: {  	[tilespmem:s21], [sflag:$0x4] =	stream.linear.gather [hbm4b:s15+s0], $0x2710, $0x38;
	[tilespmem:$0x1FF80] =	vst v63  }
0x50: {  	_ =	swait.ge [sflag:s20], $0x2710  }
0x51: {  	[sflag:s20] =	ssyncset.done $0x0  }
0x52: {  	[sflag:s20] =	ssyncadd.s32 $0xFFFFD8F0  }
0x53: {  	[bflag:$0x0] =	sbarrier.arrive $0xFFFF  }
0x54: {  	[tilespmem:s19], [sflag:$0x1] =	stream.indirect.gather [hbm4b:s1+s22], $0x80, s0, s22, $0xb8;
	[tilespmem:$0x1FF80] =	vst v63  }
0x55: {  	_ = 	snop  }
0x56: {  	[tilespmem:s23], [sflag:$0x2] =	stream.indirect.gather [hbm4b:s1+s22], $0x80, s22, s22, $0xb8;
	[tilespmem:$0x1FF80] =	vst v63  }
0x57: {  	s21 =	simm.s32 $0xA0  }
0x58: {  	[tilespmem:s25], [sflag:$0x3] =	stream.indirect.gather [hbm4b:s1+s22], $0x80, s21, s22, $0xb8;
	[tilespmem:$0x1FF80] =	vst v63  }
0x59: {  	_ =	swait.ge [sflag:s26], $0x2800  }
0x5a: {  	[sflag:s26] =	ssyncset.done $0x0  }
0x5b: {  	s21 =	simm.s32 $0x2780;
	[sflag:s26] =	ssyncadd.s32 $0xFFFFD800  }
0x5c: {  	[spmem:s3] =	stream.indirect.scatter.add.f32 [tilespmem:s19], [sflag:$0x4], $0x80, s21, s22, $0xb8;
	[tilespmem:$0x1FF80] =	vst v63  }
0x5d: {  	_ =	swait.ge [sflag:s20], $0x2800  }
0x5e: {  	[sflag:s20] =	ssyncset.done $0x0  }
0x5f: {  	s21 =	simm.s32 $0xF0;
	[sflag:s20] =	ssyncadd.s32 $0xFFFFD800  }
0x60: {  	[tilespmem:s19], [sflag:$0x1] =	stream.indirect.gather [hbm4b:s1+s22], $0x80, s21, s22, $0xb8;
	[tilespmem:$0x1FF80] =	vst v63  }
0x61: {  	_ =	swait.ge [sflag:s28], $0x2800  }
0x62: {  	[sflag:s28] =	ssyncset.done $0x0  }
0x63: {  	s21 =	simm.s32 $0x27D0;
	[sflag:s28] =	ssyncadd.s32 $0xFFFFD800  }
0x64: {  	[spmem:s3] =	stream.indirect.scatter.add.f32 [tilespmem:s23], [sflag:$0x4], $0x80, s21, s22, $0xb8;
	[tilespmem:$0x1FF80] =	vst v63  }
0x65: {  	_ =	swait.ge [sflag:s20], $0x2800  }
0x66: {  	[sflag:s20] =	ssyncset.done $0x0  }
0x67: {  	s21 =	simm.s32 $0x140;
	[sflag:s20] =	ssyncadd.s32 $0xFFFFD800  }
0x68: {  	[tilespmem:s23], [sflag:$0x2] =	stream.indirect.gather [hbm4b:s1+s22], $0x80, s21, s22, $0xb8;
	[tilespmem:$0x1FF80] =	vst v63  }
0x69: {  	_ =	swait.ge [sflag:s29], $0x2800  }
0x6a: {  	[sflag:s29] =	ssyncset.done $0x0  }
0x6b: {  	s21 =	simm.s32 $0x2820;
	[sflag:s29] =	ssyncadd.s32 $0xFFFFD800  }
0x6c: {  	[spmem:s3] =	stream.indirect.scatter.add.f32 [tilespmem:s25], [sflag:$0x4], $0x80, s21, s22, $0xb8;
	[tilespmem:$0x1FF80] =	vst v63  }
0x6d: {  	_ =	swait.ge [sflag:s20], $0x2800  }
0x6e: {  	[sflag:s20] =	ssyncset.done $0x0  }
0x6f: {  	s31 =	simm.s32 $0x3C0;
	s0 =	simm.s32 $0x190;
	[sflag:s20] =	ssyncadd.s32 $0xFFFFD800  }
.LBB2_4:
0x70: {  	[tilespmem:s25], [sflag:$0x3] =	stream.indirect.gather [hbm4b:s1+s22], $0x80, s0, s22, $0xb8;
	[tilespmem:$0x1FF80] =	vst v63  }
0x71: {  	s0 =	smov.u32 s31  }
0x72: {  	p1 =	sne.s32 s31, $0x9240;
	s31 =	sadd.s32 $0x3C0, s31;
	_ =	swait.ge [sflag:s26], $0x2800  }
0x73: {  	s0 =	sshra.s32 s0, $0x2;
	[sflag:s26] =	ssyncset.done $0x0  }
0x74: {  	s21 =	sadd.s32 $0x2780, s0;
	[sflag:s26] =	ssyncadd.s32 $0xFFFFD800  }
0x75: {  	[spmem:s3] =	stream.indirect.scatter.add.f32 [tilespmem:s19], [sflag:$0x4], $0x80, s21, s22, $0xb8;
	[tilespmem:$0x1FF80] =	vst v63  }
0x76: {  	_ =	swait.ge [sflag:s20], $0x2800  }
0x77: {  	[sflag:s20] =	ssyncset.done $0x0  }
0x78: {  	s21 =	sadd.s32 $0xF0, s0;
	[sflag:s20] =	ssyncadd.s32 $0xFFFFD800  }
0x79: {  	[tilespmem:s19], [sflag:$0x1] =	stream.indirect.gather [hbm4b:s1+s22], $0x80, s21, s22, $0xb8;
	[tilespmem:$0x1FF80] =	vst v63  }
0x7a: {  	_ =	swait.ge [sflag:s28], $0x2800  }
0x7b: {  	[sflag:s28] =	ssyncset.done $0x0  }
0x7c: {  	s21 =	sadd.s32 $0x27D0, s0;
	[sflag:s28] =	ssyncadd.s32 $0xFFFFD800  }
0x7d: {  	[spmem:s3] =	stream.indirect.scatter.add.f32 [tilespmem:s23], [sflag:$0x4], $0x80, s21, s22, $0xb8;
	[tilespmem:$0x1FF80] =	vst v63  }
0x7e: {  	_ =	swait.ge [sflag:s20], $0x2800  }
0x7f: {  	[sflag:s20] =	ssyncset.done $0x0  }
0x80: {  	s21 =	sadd.s32 $0x140, s0;
	[sflag:s20] =	ssyncadd.s32 $0xFFFFD800  }
0x81: {  	[tilespmem:s23], [sflag:$0x2] =	stream.indirect.gather [hbm4b:s1+s22], $0x80, s21, s22, $0xb8;
	[tilespmem:$0x1FF80] =	vst v63  }
0x82: {  	_ =	swait.ge [sflag:s29], $0x2800  }
0x83: {  	[sflag:s29] =	ssyncset.done $0x0  }
.Ltmp1:
0x84: {  	s21 =	sadd.s32 $0x2820, s0;
	[sflag:s29] =	ssyncadd.s32 $0xFFFFD800;
	(pc) =	sbr.rel @p1 .LBB2_4-.Ltmp1, $4  }
0x85: {  	[spmem:s3] =	stream.indirect.scatter.add.f32 [tilespmem:s25], [sflag:$0x4], $0x80, s21, s22, $0xb8;
	[tilespmem:$0x1FF80] =	vst v63  }
0x86: {  	_ =	swait.ge [sflag:s20], $0x2800  }
0x87: {  	[sflag:s20] =	ssyncset.done $0x0  }
0x88: {  	s0 =	sadd.s32 $0x190, s0;
	[sflag:s20] =	ssyncadd.s32 $0xFFFFD800  }
0x89: {  	[tilespmem:s25], [sflag:$0x3] =	stream.indirect.gather [hbm4b:s1+s22], $0x80, s0, s22, $0xb8;
	[tilespmem:$0x1FF80] =	vst v63  }
0x8a: {  	_ =	swait.ge [sflag:s26], $0x2800  }
0x8b: {  	[sflag:s26] =	ssyncset.done $0x0  }
0x8c: {  	s31 =	simm.s32 $0x4D00;
	[sflag:s26] =	ssyncadd.s32 $0xFFFFD800  }
0x8d: {  	[spmem:s3] =	stream.indirect.scatter.add.f32 [tilespmem:s19], [sflag:$0x4], $0x80, s31, s22, $0xb8;
	[tilespmem:$0x1FF80] =	vst v63  }
0x8e: {  	_ =	swait.ge [sflag:s20], $0x2800  }
0x8f: {  	[sflag:s20] =	ssyncset.done $0x0  }
0x90: {  	s21 =	simm.s32 $0x2670;
	[sflag:s20] =	ssyncadd.s32 $0xFFFFD800  }
0x91: {  	[tilespmem:s19], [sflag:$0x1] =	stream.indirect.gather [hbm4b:s1+s22], $0x80, s21, s22, $0xb8;
	[tilespmem:$0x1FF80] =	vst v63  }
0x92: {  	_ =	swait.ge [sflag:s28], $0x2800  }
0x93: {  	[sflag:s28] =	ssyncset.done $0x0  }
0x94: {  	s31 =	simm.s32 $0x4D50;
	[sflag:s28] =	ssyncadd.s32 $0xFFFFD800  }
0x95: {  	[spmem:s3] =	stream.indirect.scatter.add.f32 [tilespmem:s23], [sflag:$0x4], $0x80, s31, s22, $0xb8;
	[tilespmem:$0x1FF80] =	vst v63  }
0x96: {  	_ =	swait.ge [sflag:s20], $0x2800  }
0x97: {  	[sflag:s20] =	ssyncset.done $0x0  }
0x98: {  	s21 =	simm.s32 $0x26C0;
	[sflag:s20] =	ssyncadd.s32 $0xFFFFD800  }
0x99: {  	[tilespmem:s23], [sflag:$0x2] =	stream.indirect.gather [hbm4b:s1+s22], $0x80, s21, s22, $0xb8;
	[tilespmem:$0x1FF80] =	vst v63  }
0x9a: {  	_ =	swait.ge [sflag:s29], $0x2800  }
0x9b: {  	[sflag:s29] =	ssyncset.done $0x0  }
0x9c: {  	[sflag:s29] =	ssyncadd.s32 $0xFFFFD800  }
0x9d: {  	[spmem:s3] =	stream.indirect.scatter.add.f32 [tilespmem:s25], [sflag:$0x4], $0x80, s2, s22, $0xb8;
	[tilespmem:$0x1FF80] =	vst v63  }
0x9e: {  	_ =	swait.ge [sflag:s20], $0x2800  }
0x9f: {  	[sflag:s20] =	ssyncset.done $0x0  }
0xa0: {  	[sflag:s20] =	ssyncadd.s32 $0xFFFFD800  }
0xa1: {  	_ =	swait.ge [sflag:s26], $0x2800  }
0xa2: {  	[sflag:s26] =	ssyncset.done $0x0  }
0xa3: {  	[sflag:s26] =	ssyncadd.s32 $0xFFFFD800  }
0xa4: {  	[spmem:s3] =	stream.indirect.scatter.add.f32 [tilespmem:s19], [sflag:$0x4], $0x80, s24, s22, $0xb8;
	[tilespmem:$0x1FF80] =	vst v63  }
0xa5: {  	_ =	swait.ge [sflag:s20], $0x2800  }
0xa6: {  	[sflag:s20] =	ssyncset.done $0x0  }
0xa7: {  	[sflag:s20] =	ssyncadd.s32 $0xFFFFD800  }
0xa8: {  	_ =	swait.ge [sflag:s28], $0x2800  }
0xa9: {  	[sflag:s28] =	ssyncset.done $0x0  }
0xaa: {  	[sflag:s28] =	ssyncadd.s32 $0xFFFFD800  }
0xab: {  	[spmem:s3] =	stream.indirect.scatter.add.f32 [tilespmem:s23], [sflag:$0x4], $0x80, s30, s22, $0xb8;
	[tilespmem:$0x1FF80] =	vst v63  }
0xac: {  	_ =	swait.ge [sflag:s20], $0x2800  }
0xad: {  	s31 =	stileid.u32;
	[sflag:s20] =	ssyncset.done $0x0  }
0xae: {  	s0 =	sshll.u32 s31, $0x6;
	[sflag:s20] =	ssyncadd.s32 $0xFFFFD800  }
0xaf: {  	s0 =	sor.u32 $0x1C04, s0;
	s21 =	sshrl.u32 s5, $0x3;
	[bflag:$0x0] =	sbarrier.arrive $0xFFFF  }
0xb0: {  	[hbm:s16], [sflag:s0] =	dma.local [spmem:s21], $0x2700  }
0xb1: {  	_ =	swait.ge [sflag:s20], $0x2700  }
0xb2: {  	s4 =	sadd.s32 $0x1, s4;
	[sflag:s20] =	ssyncset.done $0x0  }
0xb3: {  	p1 =	sne.s32 s4, s18;
	s21 =	sshrl.u32 @!p0 s13, $0x3;
	[sflag:s20] =	ssyncadd.s32 $0xFFFFD900  }
0xb4: {  	[hbm:s17], [sflag:s0] =	dma.local @!p0 [spmem:s21], $0x100  }
.Ltmp2:
0xb5: {  	_ = 	snop;
	(pc) =	sbr.rel @p1 .LBB2_1-.Ltmp2, $4  }
0xb6: {  	s0 =	simm.s32 @!p0 $0x4  }
0xb7: {  	_ =	swait.ge @!p0 [sflag:s0], $0x100  }
0xb8: {  	[sflag:s0] =	ssyncset.done @!p0 $0x0  }
0xb9: {  	[sflag:s0] =	ssyncadd.s32 @!p0 $0xFFFFFF00  }
0xba: {  	_ =	sfence.sel $0x180000  }
0xbb: {  	[bflag:$0x0] =	sbarrier.arrive $0xFFFF  }
0xbc: {  	_ =	strace $0x90000047  }
0xbd: {  	s0 =	stileid.u32;
	[bflag:$0x2] =	sbarrier.arrive $0xFFFF  }
0xbe: {  	p0 =	sne.s32 s0, $0x0;
	s0 =	rddreg [dreg:$0x4]  }
0xbf: {  	s0 =	sadd.s32 @!p0 $0x100000, s0  }
0xc0: {  	[sflag:s0] =	ssyncadd.tile.s32 @!p0 $0x1;
	_ =	shalt  }
.Lfunc_end2:
_tile_overlayer_lowered:
.L_overlay_start_2:
0xc1: {  	(tag) =	ssettag $0x2  }
0xc2: {  	s0 =	rddreg [dreg:$0x0];
	s2 =	stileid.u32  }
0xc3: {  	s1 =	rddreg [dreg:$0x1];
	p0 =	sne.s32 s2, $0x0  }
0xc4: {  	s3 =	rddreg [dreg:$0x2];
	[bflag:$0x3] =	sbarrier.arrive $0xFFFF;
	s2 =	simm.s32 @!p0 $0x1C04  }
0xc5: {  	[timem:s3], [sflag:s2] =	dma.local @!p0 [hbm:s0], s1  }
0xc6: {  	s0 =	simm.s32 @!p0 $0x4  }
0xc7: {  	_ =	swait.ge @!p0 [sflag:s0], s1  }
0xc8: {  	s1 =	ssub.s32 @!p0 $0x0, s1;
	[sflag:s0] =	ssyncset.done @!p0 $0x0  }
0xc9: {  	[sflag:s0] =	ssyncadd.s32 @!p0 s1  }
0xca: {  	[bflag:$0x3] =	sbarrier.arrive $0xFFFF  }
0xcb: {  	_ =	shalt  }

</sc_bundles>
